<compile_context>
chip_gen: v7x
topology: tpu7x:2x2x1
jax: 0.10.2.dev20260603
libtpu: 0.0.44.dev20260713+nightly
codegen_flags: <defaults>
</compile_context>

<pallas_src>
import functools

import jax
import jax.numpy as jnp
from jax import lax
from jax.experimental import pallas as pl
from jax.experimental.pallas import tpu as pltpu
from jax.experimental.pallas import tpu_sc as plsc

NC, NS, LANES = 2, 16, 16
CH = 48
SC_ROWS = 160
TC_BH = 8


def _sc_pos(h_part, w, d):
    nw = NC * NS
    assert h_part % nw == 0 and d % LANES == 0 and w % CH == 0
    rows_per_w = h_part // nw
    n_jc = w // CH
    assert n_jc & (n_jc - 1) == 0
    jc_shift = n_jc.bit_length() - 1
    jc_mask = n_jc - 1
    n_chunks = rows_per_w * n_jc
    assert n_chunks % 2 == 0
    nvec = d // LANES

    mesh = plsc.VectorSubcoreMesh(core_axis_name="c", subcore_axis_name="s")

    @functools.partial(
        pl.kernel,
        out_type=jax.ShapeDtypeStruct((h_part * w, d), jnp.float32),
        mesh=mesh,
        scratch_types=[
            pltpu.VMEM((w, d), jnp.float32),
            pltpu.VMEM((rows_per_w * d,), jnp.float32),
            pltpu.VMEM((CH, d), jnp.float32),
            pltpu.VMEM((CH, d), jnp.float32),
            pltpu.SemaphoreType.DMA,
            pltpu.SemaphoreType.DMA,
        ],
    )
    def body(wrow_hbm, wcol_hbm, out_hbm, wcol_v, wrow_v, buf0, buf1, sem0, sem1):
        wid = lax.axis_index("s") * NC + lax.axis_index("c")
        row0 = wid * rows_per_w
        pltpu.sync_copy(wcol_hbm, wcol_v)
        pltpu.sync_copy(wrow_hbm.at[pl.ds(row0 * d, rows_per_w * d)], wrow_v)

        bufs = (buf0, buf1)
        sems = (sem0, sem1)

        def out_off(k):
            return (row0 + (k >> jc_shift)) * w + (k & jc_mask) * CH

        def compute_chunk(k, buf):
            irel = k >> jc_shift
            jc = (k & jc_mask) * CH
            wrow_vecs = [
                wrow_v[pl.ds(irel * d + dv * LANES, LANES)] for dv in range(nvec)
            ]

            @plsc.parallel_loop(0, CH, unroll=8)
            def _jj_body(jj):
                row = jc + jj
                for dv in range(nvec):
                    sl = pl.ds(dv * LANES, LANES)
                    buf[jj, sl] = wcol_v[row, sl] + wrow_vecs[dv]

        def pair_body(t, c):
            for b in range(2):
                k = 2 * t + b

                @pl.when(t > 0)
                def _wait():
                    pltpu.make_async_copy(
                        bufs[b], out_hbm.at[pl.ds(out_off(k - 2), CH)], sems[b]
                    ).wait()

                compute_chunk(k, bufs[b])
                pltpu.async_copy(bufs[b], out_hbm.at[pl.ds(out_off(k), CH)], sems[b])
            return c

        lax.fori_loop(0, n_chunks // 2, pair_body, 0)
        for b in range(2):
            kp = n_chunks - 2 + b
            pltpu.make_async_copy(
                bufs[b], out_hbm.at[pl.ds(out_off(kp), CH)], sems[b]
            ).wait()

    return body


def _tc_body(w_row_ref, w_col_ref, out_ref):
    out_ref[...] = w_row_ref[...][:, None, :] + w_col_ref[...][None, :, :]


def _tc_pos(h_part, w, d):
    return pl.pallas_call(
        _tc_body,
        grid=(h_part // TC_BH,),
        in_specs=[
            pl.BlockSpec((TC_BH, d), lambda i: (i, 0)),
            pl.BlockSpec((w, d), lambda i: (0, 0)),
        ],
        out_specs=pl.BlockSpec((TC_BH, w, d), lambda i: (i, 0, 0)),
        out_shape=jax.ShapeDtypeStruct((h_part, w, d), jnp.float32),
    )


def kernel(input, W_row, W_col):
    h, w = input.shape[1], input.shape[2]
    d = W_row.shape[1]
    h_tc = h - SC_ROWS
    wcol = W_col[:w]
    tc_part = _tc_pos(h_tc, w, d)(W_row[:h_tc], wcol)
    sc_part = _sc_pos(SC_ROWS, w, d)(W_row[h_tc:h].reshape(-1), wcol)
    return jnp.concatenate([tc_part, sc_part.reshape(SC_ROWS, w, d)], axis=0)

# --- scband reference (transcript-rebuilt; emitter-appended) ---
"""Pipeline reference for scband-positional-embedding-learnable-81922206203970 (READ-ONLY COPY).

The authoritative reference and input builder live on the scoring server;
editing this copy changes nothing except your own understanding.
"""

import jax, jax.numpy as jnp
import numpy as np

NUM_EMBEDDINGS = 512
EMBEDDING_DIM = 256


def setup_inputs(seed: int = 0) -> dict:
    key = jax.random.key(seed)
    k_in, k_row, k_col = jax.random.split(key, 3)
    input = jax.random.normal(k_in, (8, 384, 384, 96), dtype=jnp.float32)
    # learned embedding tables (nn.Embedding default init ~ N(0,1))
    W_row = jax.random.normal(k_row, (NUM_EMBEDDINGS, EMBEDDING_DIM), dtype=jnp.float32)
    W_col = jax.random.normal(k_col, (NUM_EMBEDDINGS, EMBEDDING_DIM), dtype=jnp.float32)
    return {"input": input, "W_row": W_row, "W_col": W_col}


def reference(input, W_row, W_col):
    _, h, w = input.shape[0], input.shape[1], input.shape[2]
    # embedding lookups: gather rows of the tables with arange indices
    p_rows = jnp.take(W_row, jnp.arange(h), axis=0)  # [h, d]
    p_cols = jnp.take(W_col, jnp.arange(w), axis=0)  # [w, d]
    # p_cols.unsqueeze(0).repeat(h,1,1) + p_rows.unsqueeze(1).repeat(1,w,1)
    pos = jnp.broadcast_to(p_cols[None, :, :], (h, w, p_cols.shape[-1])) + \
          jnp.broadcast_to(p_rows[:, None, :], (h, w, p_rows.shape[-1]))
    return pos

if __name__ == "__main__":
    import jax
    _d = setup_inputs()
    print(jax.jit(kernel)(*tuple(_d.values())))

</pallas_src>

<mosaic_0001>
#map = affine_map<(d0, d1) -> (0)>
#map1 = affine_map<(d0, d1) -> (0, 0)>
module attributes {stable_mosaic.version = 14 : i64} {
  func.func @body(%arg0: i32, %arg1: i32, %arg2: memref<40960xf32, #tpu.memory_space<hbm>>, %arg3: memref<384x256xf32, #tpu.memory_space<hbm>>, %arg4: memref<61440x256xf32, #tpu.memory_space<hbm>>, %arg5: memref<384x256xf32, #tpu.memory_space<vmem>>, %arg6: memref<1280xf32, #tpu.memory_space<vmem>>, %arg7: memref<48x256xf32, #tpu.memory_space<vmem>>, %arg8: memref<48x256xf32, #tpu.memory_space<vmem>>, %arg9: memref<!tpu.dma_semaphore, #tpu.memory_space<semaphore_mem>>, %arg10: memref<!tpu.dma_semaphore, #tpu.memory_space<semaphore_mem>>) attributes {dimension_semantics = [#tpu.dimension_semantics<core_parallel>, #tpu.dimension_semantics<subcore_parallel>], iteration_bounds = array<i64: 2, 16>, scalar_prefetch = 0 : i64, scratch_operands = 6 : i64, tpu.core_type = #tpu.core_type<sc_vector_subcore>, window_params = [{transform_indices = #map}, {transform_indices = #map1}, {transform_indices = #map1}]} {
    %mul3A = arith.constant 2 : i32
    %mul3A_0 = arith.muli %arg1, %mul3A : i32
    %add3A = arith.addi %mul3A_0, %arg0 : i32
    %mul3A_1 = arith.constant 5 : i32
    %mul3A_2 = arith.muli %add3A, %mul3A_1 : i32
    "tpu.region"() ({
      %run_scoped3A = tpu.sem_alloc : memref<!tpu.dma_semaphore, #tpu.memory_space<semaphore_mem>>
      tpu.enqueue_dma source(%arg3 : memref<384x256xf32, #tpu.memory_space<hbm>>) target(%arg5 : memref<384x256xf32, #tpu.memory_space<vmem>>) target_semaphore(%run_scoped3A : memref<!tpu.dma_semaphore, #tpu.memory_space<semaphore_mem>>)
      tpu.wait_dma2 semaphore(%run_scoped3A : memref<!tpu.dma_semaphore, #tpu.memory_space<semaphore_mem>>) src(%arg3 : memref<384x256xf32, #tpu.memory_space<hbm>>) dst(%arg5 : memref<384x256xf32, #tpu.memory_space<vmem>>)
      tpu.yield
    }) : () -> ()
    %mul3A_3 = arith.constant 256 : i32
    %mul3A_4 = arith.muli %mul3A_2, %mul3A_3 : i32
    "tpu.region"() ({
      %run_scoped3A = tpu.sem_alloc : memref<!tpu.dma_semaphore, #tpu.memory_space<semaphore_mem>>
      %dma_start3A = tpu.memref_slice %arg2[%mul3A_4] : memref<40960xf32, #tpu.memory_space<hbm>> -> memref<1280xf32, #tpu.memory_space<hbm>>
      %dma_start3A_29 = tpu.memref_slice %arg2[%mul3A_4] : memref<40960xf32, #tpu.memory_space<hbm>> -> memref<1280xf32, #tpu.memory_space<hbm>>
      tpu.enqueue_dma source(%dma_start3A_29 : memref<1280xf32, #tpu.memory_space<hbm>>) target(%arg6 : memref<1280xf32, #tpu.memory_space<vmem>>) target_semaphore(%run_scoped3A : memref<!tpu.dma_semaphore, #tpu.memory_space<semaphore_mem>>)
      %dma_wait3A_30 = tpu.memref_slice %arg2[%mul3A_4] : memref<40960xf32, #tpu.memory_space<hbm>> -> memref<1280xf32, #tpu.memory_space<hbm>>
      %dma_wait3A_31 = tpu.memref_slice %arg2[%mul3A_4] : memref<40960xf32, #tpu.memory_space<hbm>> -> memref<1280xf32, #tpu.memory_space<hbm>>
      tpu.wait_dma2 semaphore(%run_scoped3A : memref<!tpu.dma_semaphore, #tpu.memory_space<semaphore_mem>>) src(%dma_wait3A_31 : memref<1280xf32, #tpu.memory_space<hbm>>) dst(%arg6 : memref<1280xf32, #tpu.memory_space<vmem>>)
      tpu.yield
    }) : () -> ()
    %scan3A = arith.constant 0 : i32
    %scan3A_5 = arith.constant 0 : i32
    %scan3A_6 = arith.constant 20 : i32
    %scan3A_7 = arith.addi %scan3A_5, %scan3A_6 : i32
    %scan3A_8 = arith.constant 1 : i32
    scf.for %scan3A_29 = %scan3A_5 to %scan3A_7 step %scan3A_8  : i32 {
      %mul3A_30 = arith.constant 2 : i32
      %mul3A_31 = arith.muli %mul3A_30, %scan3A_29 : i32
      %add3A_32 = arith.constant 0 : i32
      %add3A_33 = arith.addi %mul3A_31, %add3A_32 : i32
      %gt3A = arith.constant 0 : i32
      %gt3A_34 = arith.cmpi sgt, %scan3A_29, %gt3A : i32
      %convert_element_type3A = arith.extui %gt3A_34 : i1 to i32
      %cond3A = arith.constant 0 : i32
      %cond3A_35 = arith.cmpi ne, %convert_element_type3A, %cond3A : i32
      scf.if %cond3A_35 {
        %sub3A = arith.constant 2 : i32
        %sub3A_310 = arith.subi %add3A_33, %sub3A : i32
        %shift_right_arithmetic3A_311 = arith.constant 3 : i32
        %shift_right_arithmetic3A_312 = arith.shrsi %sub3A_310, %shift_right_arithmetic3A_311 : i32
        %add3A_313 = arith.addi %mul3A_2, %shift_right_arithmetic3A_312 : i32
        %mul3A_314 = arith.constant 384 : i32
        %mul3A_315 = arith.muli %add3A_313, %mul3A_314 : i32
        %and3A_316 = arith.constant 7 : i32
        %and3A_317 = arith.andi %sub3A_310, %and3A_316 : i32
        %mul3A_318 = arith.constant 48 : i32
        %mul3A_319 = arith.muli %and3A_317, %mul3A_318 : i32
        %add3A_320 = arith.addi %mul3A_315, %mul3A_319 : i32
        %dma_wait3A_321 = arith.constant 0 : i32
        %dma_wait3A_322 = tpu.memref_slice %arg4[%add3A_320, %dma_wait3A_321] : memref<61440x256xf32, #tpu.memory_space<hbm>> -> memref<48x256xf32, #tpu.memory_space<hbm>>
        %dma_wait3A_323 = arith.constant 0 : i32
        %dma_wait3A_324 = tpu.memref_slice %arg4[%add3A_320, %dma_wait3A_323] : memref<61440x256xf32, #tpu.memory_space<hbm>> -> memref<48x256xf32, #tpu.memory_space<hbm>>
        tpu.wait_dma2 semaphore(%arg9 : memref<!tpu.dma_semaphore, #tpu.memory_space<semaphore_mem>>) src(%arg7 : memref<48x256xf32, #tpu.memory_space<vmem>>) dst(%dma_wait3A_324 : memref<48x256xf32, #tpu.memory_space<hbm>>)
      } else {
      }
      %shift_right_arithmetic3A = arith.constant 3 : i32
      %shift_right_arithmetic3A_36 = arith.shrsi %add3A_33, %shift_right_arithmetic3A : i32
      %and3A = arith.constant 7 : i32
      %and3A_37 = arith.andi %add3A_33, %and3A : i32
      %mul3A_38 = arith.constant 48 : i32
      %mul3A_39 = arith.muli %and3A_37, %mul3A_38 : i32
      %mul3A_40 = arith.constant 256 : i32
      %mul3A_41 = arith.muli %shift_right_arithmetic3A_36, %mul3A_40 : i32
      %add3A_42 = arith.constant 0 : i32
      %add3A_43 = arith.addi %mul3A_41, %add3A_42 : i32
      %get3A = arith.index_cast %add3A_43 : i32 to index
      %get3A_44 = tpu.vector_load %arg6[%get3A] {strides = array<i32>} : memref<1280xf32, #tpu.memory_space<vmem>>, vector<16xf32>,
      %get3A_45 = vector.shape_cast %get3A_44 : vector<16xf32> to vector<16xf32>
      %mul3A_46 = arith.constant 256 : i32
      %mul3A_47 = arith.muli %shift_right_arithmetic3A_36, %mul3A_46 : i32
      %add3A_48 = arith.constant 16 : i32
      %add3A_49 = arith.addi %mul3A_47, %add3A_48 : i32
      %get3A_50 = arith.index_cast %add3A_49 : i32 to index
      %get3A_51 = tpu.vector_load %arg6[%get3A_50] {strides = array<i32>} : memref<1280xf32, #tpu.memory_space<vmem>>, vector<16xf32>,
      %get3A_52 = vector.shape_cast %get3A_51 : vector<16xf32> to vector<16xf32>
      %mul3A_53 = arith.constant 256 : i32
      %mul3A_54 = arith.muli %shift_right_arithmetic3A_36, %mul3A_53 : i32
      %add3A_55 = arith.constant 32 : i32
      %add3A_56 = arith.addi %mul3A_54, %add3A_55 : i32
      %get3A_57 = arith.index_cast %add3A_56 : i32 to index
      %get3A_58 = tpu.vector_load %arg6[%get3A_57] {strides = array<i32>} : memref<1280xf32, #tpu.memory_space<vmem>>, vector<16xf32>,
      %get3A_59 = vector.shape_cast %get3A_58 : vector<16xf32> to vector<16xf32>
      %mul3A_60 = arith.constant 256 : i32
      %mul3A_61 = arith.muli %shift_right_arithmetic3A_36, %mul3A_60 : i32
      %add3A_62 = arith.constant 48 : i32
      %add3A_63 = arith.addi %mul3A_61, %add3A_62 : i32
      %get3A_64 = arith.index_cast %add3A_63 : i32 to index
      %get3A_65 = tpu.vector_load %arg6[%get3A_64] {strides = array<i32>} : memref<1280xf32, #tpu.memory_space<vmem>>, vector<16xf32>,
      %get3A_66 = vector.shape_cast %get3A_65 : vector<16xf32> to vector<16xf32>
      %mul3A_67 = arith.constant 256 : i32
      %mul3A_68 = arith.muli %shift_right_arithmetic3A_36, %mul3A_67 : i32
      %add3A_69 = arith.constant 64 : i32
      %add3A_70 = arith.addi %mul3A_68, %add3A_69 : i32
      %get3A_71 = arith.index_cast %add3A_70 : i32 to index
      %get3A_72 = tpu.vector_load %arg6[%get3A_71] {strides = array<i32>} : memref<1280xf32, #tpu.memory_space<vmem>>, vector<16xf32>,
      %get3A_73 = vector.shape_cast %get3A_72 : vector<16xf32> to vector<16xf32>
      %mul3A_74 = arith.constant 256 : i32
      %mul3A_75 = arith.muli %shift_right_arithmetic3A_36, %mul3A_74 : i32
      %add3A_76 = arith.constant 80 : i32
      %add3A_77 = arith.addi %mul3A_75, %add3A_76 : i32
      %get3A_78 = arith.index_cast %add3A_77 : i32 to index
      %get3A_79 = tpu.vector_load %arg6[%get3A_78] {strides = array<i32>} : memref<1280xf32, #tpu.memory_space<vmem>>, vector<16xf32>,
      %get3A_80 = vector.shape_cast %get3A_79 : vector<16xf32> to vector<16xf32>
      %mul3A_81 = arith.constant 256 : i32
      %mul3A_82 = arith.muli %shift_right_arithmetic3A_36, %mul3A_81 : i32
      %add3A_83 = arith.constant 96 : i32
      %add3A_84 = arith.addi %mul3A_82, %add3A_83 : i32
      %get3A_85 = arith.index_cast %add3A_84 : i32 to index
      %get3A_86 = tpu.vector_load %arg6[%get3A_85] {strides = array<i32>} : memref<1280xf32, #tpu.memory_space<vmem>>, vector<16xf32>,
      %get3A_87 = vector.shape_cast %get3A_86 : vector<16xf32> to vector<16xf32>
      %mul3A_88 = arith.constant 256 : i32
      %mul3A_89 = arith.muli %shift_right_arithmetic3A_36, %mul3A_88 : i32
      %add3A_90 = arith.constant 112 : i32
      %add3A_91 = arith.addi %mul3A_89, %add3A_90 : i32
      %get3A_92 = arith.index_cast %add3A_91 : i32 to index
      %get3A_93 = tpu.vector_load %arg6[%get3A_92] {strides = array<i32>} : memref<1280xf32, #tpu.memory_space<vmem>>, vector<16xf32>,
      %get3A_94 = vector.shape_cast %get3A_93 : vector<16xf32> to vector<16xf32>
      %mul3A_95 = arith.constant 256 : i32
      %mul3A_96 = arith.muli %shift_right_arithmetic3A_36, %mul3A_95 : i32
      %add3A_97 = arith.constant 128 : i32
      %add3A_98 = arith.addi %mul3A_96, %add3A_97 : i32
      %get3A_99 = arith.index_cast %add3A_98 : i32 to index
      %get3A_100 = tpu.vector_load %arg6[%get3A_99] {strides = array<i32>} : memref<1280xf32, #tpu.memory_space<vmem>>, vector<16xf32>,
      %get3A_101 = vector.shape_cast %get3A_100 : vector<16xf32> to vector<16xf32>
      %mul3A_102 = arith.constant 256 : i32
      %mul3A_103 = arith.muli %shift_right_arithmetic3A_36, %mul3A_102 : i32
      %add3A_104 = arith.constant 144 : i32
      %add3A_105 = arith.addi %mul3A_103, %add3A_104 : i32
      %get3A_106 = arith.index_cast %add3A_105 : i32 to index
      %get3A_107 = tpu.vector_load %arg6[%get3A_106] {strides = array<i32>} : memref<1280xf32, #tpu.memory_space<vmem>>, vector<16xf32>,
      %get3A_108 = vector.shape_cast %get3A_107 : vector<16xf32> to vector<16xf32>
      %mul3A_109 = arith.constant 256 : i32
      %mul3A_110 = arith.muli %shift_right_arithmetic3A_36, %mul3A_109 : i32
      %add3A_111 = arith.constant 160 : i32
      %add3A_112 = arith.addi %mul3A_110, %add3A_111 : i32
      %get3A_113 = arith.index_cast %add3A_112 : i32 to index
      %get3A_114 = tpu.vector_load %arg6[%get3A_113] {strides = array<i32>} : memref<1280xf32, #tpu.memory_space<vmem>>, vector<16xf32>,
      %get3A_115 = vector.shape_cast %get3A_114 : vector<16xf32> to vector<16xf32>
      %mul3A_116 = arith.constant 256 : i32
      %mul3A_117 = arith.muli %shift_right_arithmetic3A_36, %mul3A_116 : i32
      %add3A_118 = arith.constant 176 : i32
      %add3A_119 = arith.addi %mul3A_117, %add3A_118 : i32
      %get3A_120 = arith.index_cast %add3A_119 : i32 to index
      %get3A_121 = tpu.vector_load %arg6[%get3A_120] {strides = array<i32>} : memref<1280xf32, #tpu.memory_space<vmem>>, vector<16xf32>,
      %get3A_122 = vector.shape_cast %get3A_121 : vector<16xf32> to vector<16xf32>
      %mul3A_123 = arith.constant 256 : i32
      %mul3A_124 = arith.muli %shift_right_arithmetic3A_36, %mul3A_123 : i32
      %add3A_125 = arith.constant 192 : i32
      %add3A_126 = arith.addi %mul3A_124, %add3A_125 : i32
      %get3A_127 = arith.index_cast %add3A_126 : i32 to index
      %get3A_128 = tpu.vector_load %arg6[%get3A_127] {strides = array<i32>} : memref<1280xf32, #tpu.memory_space<vmem>>, vector<16xf32>,
      %get3A_129 = vector.shape_cast %get3A_128 : vector<16xf32> to vector<16xf32>
      %mul3A_130 = arith.constant 256 : i32
      %mul3A_131 = arith.muli %shift_right_arithmetic3A_36, %mul3A_130 : i32
      %add3A_132 = arith.constant 208 : i32
      %add3A_133 = arith.addi %mul3A_131, %add3A_132 : i32
      %get3A_134 = arith.index_cast %add3A_133 : i32 to index
      %get3A_135 = tpu.vector_load %arg6[%get3A_134] {strides = array<i32>} : memref<1280xf32, #tpu.memory_space<vmem>>, vector<16xf32>,
      %get3A_136 = vector.shape_cast %get3A_135 : vector<16xf32> to vector<16xf32>
      %mul3A_137 = arith.constant 256 : i32
      %mul3A_138 = arith.muli %shift_right_arithmetic3A_36, %mul3A_137 : i32
      %add3A_139 = arith.constant 224 : i32
      %add3A_140 = arith.addi %mul3A_138, %add3A_139 : i32
      %get3A_141 = arith.index_cast %add3A_140 : i32 to index
      %get3A_142 = tpu.vector_load %arg6[%get3A_141] {strides = array<i32>} : memref<1280xf32, #tpu.memory_space<vmem>>, vector<16xf32>,
      %get3A_143 = vector.shape_cast %get3A_142 : vector<16xf32> to vector<16xf32>
      %mul3A_144 = arith.constant 256 : i32
      %mul3A_145 = arith.muli %shift_right_arithmetic3A_36, %mul3A_144 : i32
      %add3A_146 = arith.constant 240 : i32
      %add3A_147 = arith.addi %mul3A_145, %add3A_146 : i32
      %get3A_148 = arith.index_cast %add3A_147 : i32 to index
      %get3A_149 = tpu.vector_load %arg6[%get3A_148] {strides = array<i32>} : memref<1280xf32, #tpu.memory_space<vmem>>, vector<16xf32>,
      %get3A_150 = vector.shape_cast %get3A_149 : vector<16xf32> to vector<16xf32>
      %parallel_loop3A = arith.constant 0 : i32
      %parallel_loop3A_151 = arith.constant 48 : i32
      %parallel_loop3A_152 = arith.constant 1 : i32
      scf.for %parallel_loop3A_310 = %parallel_loop3A to %parallel_loop3A_151 step %parallel_loop3A_152  : i32 {
        %parallel_loop3A_311 = arith.addi %mul3A_39, %parallel_loop3A_310 : i32
        %parallel_loop3A_312 = arith.index_cast %parallel_loop3A_311 : i32 to index
        %parallel_loop3A_313 = arith.constant 0 : index
        %parallel_loop3A_314 = tpu.vector_load %arg5[%parallel_loop3A_312, %parallel_loop3A_313] {strides = array<i32>} : memref<384x256xf32, #tpu.memory_space<vmem>>, vector<1x16xf32>,
        %parallel_loop3A_315 = vector.shape_cast %parallel_loop3A_314 : vector<1x16xf32> to vector<16xf32>
        %parallel_loop3A_316 = arith.addf %parallel_loop3A_315, %get3A_45 : vector<16xf32>
        %parallel_loop3A_317 = arith.index_cast %parallel_loop3A_310 : i32 to index
        %parallel_loop3A_318 = arith.constant 0 : index
        %parallel_loop3A_319 = tpu.vector_load %arg7[%parallel_loop3A_317, %parallel_loop3A_318] {strides = array<i32>} : memref<48x256xf32, #tpu.memory_space<vmem>>, vector<1x16xf32>,
        %parallel_loop3A_320 = vector.shape_cast %parallel_loop3A_319 : vector<1x16xf32> to vector<16xf32>
        %parallel_loop3A_321 = vector.shape_cast %parallel_loop3A_316 : vector<16xf32> to vector<1x16xf32>
        tpu.vector_store %arg7[%parallel_loop3A_317, %parallel_loop3A_318], %parallel_loop3A_321 {strides = array<i32>} : memref<48x256xf32, #tpu.memory_space<vmem>>, vector<1x16xf32>,
        %parallel_loop3A_322 = arith.index_cast %parallel_loop3A_311 : i32 to index
        %parallel_loop3A_323 = arith.constant 16 : index
        %parallel_loop3A_324 = tpu.vector_load %arg5[%parallel_loop3A_322, %parallel_loop3A_323] {strides = array<i32>} : memref<384x256xf32, #tpu.memory_space<vmem>>, vector<1x16xf32>,
        %parallel_loop3A_325 = vector.shape_cast %parallel_loop3A_324 : vector<1x16xf32> to vector<16xf32>
        %parallel_loop3A_326 = arith.addf %parallel_loop3A_325, %get3A_52 : vector<16xf32>
        %parallel_loop3A_327 = arith.index_cast %parallel_loop3A_310 : i32 to index
        %parallel_loop3A_328 = arith.constant 16 : index
        %parallel_loop3A_329 = tpu.vector_load %arg7[%parallel_loop3A_327, %parallel_loop3A_328] {strides = array<i32>} : memref<48x256xf32, #tpu.memory_space<vmem>>, vector<1x16xf32>,
        %parallel_loop3A_330 = vector.shape_cast %parallel_loop3A_329 : vector<1x16xf32> to vector<16xf32>
        %parallel_loop3A_331 = vector.shape_cast %parallel_loop3A_326 : vector<16xf32> to vector<1x16xf32>
        tpu.vector_store %arg7[%parallel_loop3A_327, %parallel_loop3A_328], %parallel_loop3A_331 {strides = array<i32>} : memref<48x256xf32, #tpu.memory_space<vmem>>, vector<1x16xf32>,
        %parallel_loop3A_332 = arith.index_cast %parallel_loop3A_311 : i32 to index
        %parallel_loop3A_333 = arith.constant 32 : index
        %parallel_loop3A_334 = tpu.vector_load %arg5[%parallel_loop3A_332, %parallel_loop3A_333] {strides = array<i32>} : memref<384x256xf32, #tpu.memory_space<vmem>>, vector<1x16xf32>,
        %parallel_loop3A_335 = vector.shape_cast %parallel_loop3A_334 : vector<1x16xf32> to vector<16xf32>
        %parallel_loop3A_336 = arith.addf %parallel_loop3A_335, %get3A_59 : vector<16xf32>
        %parallel_loop3A_337 = arith.index_cast %parallel_loop3A_310 : i32 to index
        %parallel_loop3A_338 = arith.constant 32 : index
        %parallel_loop3A_339 = tpu.vector_load %arg7[%parallel_loop3A_337, %parallel_loop3A_338] {strides = array<i32>} : memref<48x256xf32, #tpu.memory_space<vmem>>, vector<1x16xf32>,
        %parallel_loop3A_340 = vector.shape_cast %parallel_loop3A_339 : vector<1x16xf32> to vector<16xf32>
        %parallel_loop3A_341 = vector.shape_cast %parallel_loop3A_336 : vector<16xf32> to vector<1x16xf32>
        tpu.vector_store %arg7[%parallel_loop3A_337, %parallel_loop3A_338], %parallel_loop3A_341 {strides = array<i32>} : memref<48x256xf32, #tpu.memory_space<vmem>>, vector<1x16xf32>,
        %parallel_loop3A_342 = arith.index_cast %parallel_loop3A_311 : i32 to index
        %parallel_loop3A_343 = arith.constant 48 : index
        %parallel_loop3A_344 = tpu.vector_load %arg5[%parallel_loop3A_342, %parallel_loop3A_343] {strides = array<i32>} : memref<384x256xf32, #tpu.memory_space<vmem>>, vector<1x16xf32>,
        %parallel_loop3A_345 = vector.shape_cast %parallel_loop3A_344 : vector<1x16xf32> to vector<16xf32>
        %parallel_loop3A_346 = arith.addf %parallel_loop3A_345, %get3A_66 : vector<16xf32>
        %parallel_loop3A_347 = arith.index_cast %parallel_loop3A_310 : i32 to index
        %parallel_loop3A_348 = arith.constant 48 : index
        %parallel_loop3A_349 = tpu.vector_load %arg7[%parallel_loop3A_347, %parallel_loop3A_348] {strides = array<i32>} : memref<48x256xf32, #tpu.memory_space<vmem>>, vector<1x16xf32>,
        %parallel_loop3A_350 = vector.shape_cast %parallel_loop3A_349 : vector<1x16xf32> to vector<16xf32>
        %parallel_loop3A_351 = vector.shape_cast %parallel_loop3A_346 : vector<16xf32> to vector<1x16xf32>
        tpu.vector_store %arg7[%parallel_loop3A_347, %parallel_loop3A_348], %parallel_loop3A_351 {strides = array<i32>} : memref<48x256xf32, #tpu.memory_space<vmem>>, vector<1x16xf32>,
        %parallel_loop3A_352 = arith.index_cast %parallel_loop3A_311 : i32 to index
        %parallel_loop3A_353 = arith.constant 64 : index
        %parallel_loop3A_354 = tpu.vector_load %arg5[%parallel_loop3A_352, %parallel_loop3A_353] {strides = array<i32>} : memref<384x256xf32, #tpu.memory_space<vmem>>, vector<1x16xf32>,
        %parallel_loop3A_355 = vector.shape_cast %parallel_loop3A_354 : vector<1x16xf32> to vector<16xf32>
        %parallel_loop3A_356 = arith.addf %parallel_loop3A_355, %get3A_73 : vector<16xf32>
        %parallel_loop3A_357 = arith.index_cast %parallel_loop3A_310 : i32 to index
        %parallel_loop3A_358 = arith.constant 64 : index
        %parallel_loop3A_359 = tpu.vector_load %arg7[%parallel_loop3A_357, %parallel_loop3A_358] {strides = array<i32>} : memref<48x256xf32, #tpu.memory_space<vmem>>, vector<1x16xf32>,
        %parallel_loop3A_360 = vector.shape_cast %parallel_loop3A_359 : vector<1x16xf32> to vector<16xf32>
        %parallel_loop3A_361 = vector.shape_cast %parallel_loop3A_356 : vector<16xf32> to vector<1x16xf32>
        tpu.vector_store %arg7[%parallel_loop3A_357, %parallel_loop3A_358], %parallel_loop3A_361 {strides = array<i32>} : memref<48x256xf32, #tpu.memory_space<vmem>>, vector<1x16xf32>,
        %parallel_loop3A_362 = arith.index_cast %parallel_loop3A_311 : i32 to index
        %parallel_loop3A_363 = arith.constant 80 : index
        %parallel_loop3A_364 = tpu.vector_load %arg5[%parallel_loop3A_362, %parallel_loop3A_363] {strides = array<i32>} : memref<384x256xf32, #tpu.memory_space<vmem>>, vector<1x16xf32>,
        %parallel_loop3A_365 = vector.shape_cast %parallel_loop3A_364 : vector<1x16xf32> to vector<16xf32>
        %parallel_loop3A_366 = arith.addf %parallel_loop3A_365, %get3A_80 : vector<16xf32>
        %parallel_loop3A_367 = arith.index_cast %parallel_loop3A_310 : i32 to index
        %parallel_loop3A_368 = arith.constant 80 : index
        %parallel_loop3A_369 = tpu.vector_load %arg7[%parallel_loop3A_367, %parallel_loop3A_368] {strides = array<i32>} : memref<48x256xf32, #tpu.memory_space<vmem>>, vector<1x16xf32>,
        %parallel_loop3A_370 = vector.shape_cast %parallel_loop3A_369 : vector<1x16xf32> to vector<16xf32>
        %parallel_loop3A_371 = vector.shape_cast %parallel_loop3A_366 : vector<16xf32> to vector<1x16xf32>
        tpu.vector_store %arg7[%parallel_loop3A_367, %parallel_loop3A_368], %parallel_loop3A_371 {strides = array<i32>} : memref<48x256xf32, #tpu.memory_space<vmem>>, vector<1x16xf32>,
        %parallel_loop3A_372 = arith.index_cast %parallel_loop3A_311 : i32 to index
        %parallel_loop3A_373 = arith.constant 96 : index
        %parallel_loop3A_374 = tpu.vector_load %arg5[%parallel_loop3A_372, %parallel_loop3A_373] {strides = array<i32>} : memref<384x256xf32, #tpu.memory_space<vmem>>, vector<1x16xf32>,
        %parallel_loop3A_375 = vector.shape_cast %parallel_loop3A_374 : vector<1x16xf32> to vector<16xf32>
        %parallel_loop3A_376 = arith.addf %parallel_loop3A_375, %get3A_87 : vector<16xf32>
        %parallel_loop3A_377 = arith.index_cast %parallel_loop3A_310 : i32 to index
        %parallel_loop3A_378 = arith.constant 96 : index
        %parallel_loop3A_379 = tpu.vector_load %arg7[%parallel_loop3A_377, %parallel_loop3A_378] {strides = array<i32>} : memref<48x256xf32, #tpu.memory_space<vmem>>, vector<1x16xf32>,
        %parallel_loop3A_380 = vector.shape_cast %parallel_loop3A_379 : vector<1x16xf32> to vector<16xf32>
        %parallel_loop3A_381 = vector.shape_cast %parallel_loop3A_376 : vector<16xf32> to vector<1x16xf32>
        tpu.vector_store %arg7[%parallel_loop3A_377, %parallel_loop3A_378], %parallel_loop3A_381 {strides = array<i32>} : memref<48x256xf32, #tpu.memory_space<vmem>>, vector<1x16xf32>,
        %parallel_loop3A_382 = arith.index_cast %parallel_loop3A_311 : i32 to index
        %parallel_loop3A_383 = arith.constant 112 : index
        %parallel_loop3A_384 = tpu.vector_load %arg5[%parallel_loop3A_382, %parallel_loop3A_383] {strides = array<i32>} : memref<384x256xf32, #tpu.memory_space<vmem>>, vector<1x16xf32>,
        %parallel_loop3A_385 = vector.shape_cast %parallel_loop3A_384 : vector<1x16xf32> to vector<16xf32>
        %parallel_loop3A_386 = arith.addf %parallel_loop3A_385, %get3A_94 : vector<16xf32>
        %parallel_loop3A_387 = arith.index_cast %parallel_loop3A_310 : i32 to index
        %parallel_loop3A_388 = arith.constant 112 : index
        %parallel_loop3A_389 = tpu.vector_load %arg7[%parallel_loop3A_387, %parallel_loop3A_388] {strides = array<i32>} : memref<48x256xf32, #tpu.memory_space<vmem>>, vector<1x16xf32>,
        %parallel_loop3A_390 = vector.shape_cast %parallel_loop3A_389 : vector<1x16xf32> to vector<16xf32>
        %parallel_loop3A_391 = vector.shape_cast %parallel_loop3A_386 : vector<16xf32> to vector<1x16xf32>
        tpu.vector_store %arg7[%parallel_loop3A_387, %parallel_loop3A_388], %parallel_loop3A_391 {strides = array<i32>} : memref<48x256xf32, #tpu.memory_space<vmem>>, vector<1x16xf32>,
        %parallel_loop3A_392 = arith.index_cast %parallel_loop3A_311 : i32 to index
        %parallel_loop3A_393 = arith.constant 128 : index
        %parallel_loop3A_394 = tpu.vector_load %arg5[%parallel_loop3A_392, %parallel_loop3A_393] {strides = array<i32>} : memref<384x256xf32, #tpu.memory_space<vmem>>, vector<1x16xf32>,
        %parallel_loop3A_395 = vector.shape_cast %parallel_loop3A_394 : vector<1x16xf32> to vector<16xf32>
        %parallel_loop3A_396 = arith.addf %parallel_loop3A_395, %get3A_101 : vector<16xf32>
        %parallel_loop3A_397 = arith.index_cast %parallel_loop3A_310 : i32 to index
        %parallel_loop3A_398 = arith.constant 128 : index
        %parallel_loop3A_399 = tpu.vector_load %arg7[%parallel_loop3A_397, %parallel_loop3A_398] {strides = array<i32>} : memref<48x256xf32, #tpu.memory_space<vmem>>, vector<1x16xf32>,
        %parallel_loop3A_400 = vector.shape_cast %parallel_loop3A_399 : vector<1x16xf32> to vector<16xf32>
        %parallel_loop3A_401 = vector.shape_cast %parallel_loop3A_396 : vector<16xf32> to vector<1x16xf32>
        tpu.vector_store %arg7[%parallel_loop3A_397, %parallel_loop3A_398], %parallel_loop3A_401 {strides = array<i32>} : memref<48x256xf32, #tpu.memory_space<vmem>>, vector<1x16xf32>,
        %parallel_loop3A_402 = arith.index_cast %parallel_loop3A_311 : i32 to index
        %parallel_loop3A_403 = arith.constant 144 : index
        %parallel_loop3A_404 = tpu.vector_load %arg5[%parallel_loop3A_402, %parallel_loop3A_403] {strides = array<i32>} : memref<384x256xf32, #tpu.memory_space<vmem>>, vector<1x16xf32>,
        %parallel_loop3A_405 = vector.shape_cast %parallel_loop3A_404 : vector<1x16xf32> to vector<16xf32>
        %parallel_loop3A_406 = arith.addf %parallel_loop3A_405, %get3A_108 : vector<16xf32>
        %parallel_loop3A_407 = arith.index_cast %parallel_loop3A_310 : i32 to index
        %parallel_loop3A_408 = arith.constant 144 : index
        %parallel_loop3A_409 = tpu.vector_load %arg7[%parallel_loop3A_407, %parallel_loop3A_408] {strides = array<i32>} : memref<48x256xf32, #tpu.memory_space<vmem>>, vector<1x16xf32>,
        %parallel_loop3A_410 = vector.shape_cast %parallel_loop3A_409 : vector<1x16xf32> to vector<16xf32>
        %parallel_loop3A_411 = vector.shape_cast %parallel_loop3A_406 : vector<16xf32> to vector<1x16xf32>
        tpu.vector_store %arg7[%parallel_loop3A_407, %parallel_loop3A_408], %parallel_loop3A_411 {strides = array<i32>} : memref<48x256xf32, #tpu.memory_space<vmem>>, vector<1x16xf32>,
        %parallel_loop3A_412 = arith.index_cast %parallel_loop3A_311 : i32 to index
        %parallel_loop3A_413 = arith.constant 160 : index
        %parallel_loop3A_414 = tpu.vector_load %arg5[%parallel_loop3A_412, %parallel_loop3A_413] {strides = array<i32>} : memref<384x256xf32, #tpu.memory_space<vmem>>, vector<1x16xf32>,
        %parallel_loop3A_415 = vector.shape_cast %parallel_loop3A_414 : vector<1x16xf32> to vector<16xf32>
        %parallel_loop3A_416 = arith.addf %parallel_loop3A_415, %get3A_115 : vector<16xf32>
        %parallel_loop3A_417 = arith.index_cast %parallel_loop3A_310 : i32 to index
        %parallel_loop3A_418 = arith.constant 160 : index
        %parallel_loop3A_419 = tpu.vector_load %arg7[%parallel_loop3A_417, %parallel_loop3A_418] {strides = array<i32>} : memref<48x256xf32, #tpu.memory_space<vmem>>, vector<1x16xf32>,
        %parallel_loop3A_420 = vector.shape_cast %parallel_loop3A_419 : vector<1x16xf32> to vector<16xf32>
        %parallel_loop3A_421 = vector.shape_cast %parallel_loop3A_416 : vector<16xf32> to vector<1x16xf32>
        tpu.vector_store %arg7[%parallel_loop3A_417, %parallel_loop3A_418], %parallel_loop3A_421 {strides = array<i32>} : memref<48x256xf32, #tpu.memory_space<vmem>>, vector<1x16xf32>,
        %parallel_loop3A_422 = arith.index_cast %parallel_loop3A_311 : i32 to index
        %parallel_loop3A_423 = arith.constant 176 : index
        %parallel_loop3A_424 = tpu.vector_load %arg5[%parallel_loop3A_422, %parallel_loop3A_423] {strides = array<i32>} : memref<384x256xf32, #tpu.memory_space<vmem>>, vector<1x16xf32>,
        %parallel_loop3A_425 = vector.shape_cast %parallel_loop3A_424 : vector<1x16xf32> to vector<16xf32>
        %parallel_loop3A_426 = arith.addf %parallel_loop3A_425, %get3A_122 : vector<16xf32>
        %parallel_loop3A_427 = arith.index_cast %parallel_loop3A_310 : i32 to index
        %parallel_loop3A_428 = arith.constant 176 : index
        %parallel_loop3A_429 = tpu.vector_load %arg7[%parallel_loop3A_427, %parallel_loop3A_428] {strides = array<i32>} : memref<48x256xf32, #tpu.memory_space<vmem>>, vector<1x16xf32>,
        %parallel_loop3A_430 = vector.shape_cast %parallel_loop3A_429 : vector<1x16xf32> to vector<16xf32>
        %parallel_loop3A_431 = vector.shape_cast %parallel_loop3A_426 : vector<16xf32> to vector<1x16xf32>
        tpu.vector_store %arg7[%parallel_loop3A_427, %parallel_loop3A_428], %parallel_loop3A_431 {strides = array<i32>} : memref<48x256xf32, #tpu.memory_space<vmem>>, vector<1x16xf32>,
        %parallel_loop3A_432 = arith.index_cast %parallel_loop3A_311 : i32 to index
        %parallel_loop3A_433 = arith.constant 192 : index
        %parallel_loop3A_434 = tpu.vector_load %arg5[%parallel_loop3A_432, %parallel_loop3A_433] {strides = array<i32>} : memref<384x256xf32, #tpu.memory_space<vmem>>, vector<1x16xf32>,
        %parallel_loop3A_435 = vector.shape_cast %parallel_loop3A_434 : vector<1x16xf32> to vector<16xf32>
        %parallel_loop3A_436 = arith.addf %parallel_loop3A_435, %get3A_129 : vector<16xf32>
        %parallel_loop3A_437 = arith.index_cast %parallel_loop3A_310 : i32 to index
        %parallel_loop3A_438 = arith.constant 192 : index
        %parallel_loop3A_439 = tpu.vector_load %arg7[%parallel_loop3A_437, %parallel_loop3A_438] {strides = array<i32>} : memref<48x256xf32, #tpu.memory_space<vmem>>, vector<1x16xf32>,
        %parallel_loop3A_440 = vector.shape_cast %parallel_loop3A_439 : vector<1x16xf32> to vector<16xf32>
        %parallel_loop3A_441 = vector.shape_cast %parallel_loop3A_436 : vector<16xf32> to vector<1x16xf32>
        tpu.vector_store %arg7[%parallel_loop3A_437, %parallel_loop3A_438], %parallel_loop3A_441 {strides = array<i32>} : memref<48x256xf32, #tpu.memory_space<vmem>>, vector<1x16xf32>,
        %parallel_loop3A_442 = arith.index_cast %parallel_loop3A_311 : i32 to index
        %parallel_loop3A_443 = arith.constant 208 : index
        %parallel_loop3A_444 = tpu.vector_load %arg5[%parallel_loop3A_442, %parallel_loop3A_443] {strides = array<i32>} : memref<384x256xf32, #tpu.memory_space<vmem>>, vector<1x16xf32>,
        %parallel_loop3A_445 = vector.shape_cast %parallel_loop3A_444 : vector<1x16xf32> to vector<16xf32>
        %parallel_loop3A_446 = arith.addf %parallel_loop3A_445, %get3A_136 : vector<16xf32>
        %parallel_loop3A_447 = arith.index_cast %parallel_loop3A_310 : i32 to index
        %parallel_loop3A_448 = arith.constant 208 : index
        %parallel_loop3A_449 = tpu.vector_load %arg7[%parallel_loop3A_447, %parallel_loop3A_448] {strides = array<i32>} : memref<48x256xf32, #tpu.memory_space<vmem>>, vector<1x16xf32>,
        %parallel_loop3A_450 = vector.shape_cast %parallel_loop3A_449 : vector<1x16xf32> to vector<16xf32>
        %parallel_loop3A_451 = vector.shape_cast %parallel_loop3A_446 : vector<16xf32> to vector<1x16xf32>
        tpu.vector_store %arg7[%parallel_loop3A_447, %parallel_loop3A_448], %parallel_loop3A_451 {strides = array<i32>} : memref<48x256xf32, #tpu.memory_space<vmem>>, vector<1x16xf32>,
        %parallel_loop3A_452 = arith.index_cast %parallel_loop3A_311 : i32 to index
        %parallel_loop3A_453 = arith.constant 224 : index
        %parallel_loop3A_454 = tpu.vector_load %arg5[%parallel_loop3A_452, %parallel_loop3A_453] {strides = array<i32>} : memref<384x256xf32, #tpu.memory_space<vmem>>, vector<1x16xf32>,
        %parallel_loop3A_455 = vector.shape_cast %parallel_loop3A_454 : vector<1x16xf32> to vector<16xf32>
        %parallel_loop3A_456 = arith.addf %parallel_loop3A_455, %get3A_143 : vector<16xf32>
        %parallel_loop3A_457 = arith.index_cast %parallel_loop3A_310 : i32 to index
        %parallel_loop3A_458 = arith.constant 224 : index
        %parallel_loop3A_459 = tpu.vector_load %arg7[%parallel_loop3A_457, %parallel_loop3A_458] {strides = array<i32>} : memref<48x256xf32, #tpu.memory_space<vmem>>, vector<1x16xf32>,
        %parallel_loop3A_460 = vector.shape_cast %parallel_loop3A_459 : vector<1x16xf32> to vector<16xf32>
        %parallel_loop3A_461 = vector.shape_cast %parallel_loop3A_456 : vector<16xf32> to vector<1x16xf32>
        tpu.vector_store %arg7[%parallel_loop3A_457, %parallel_loop3A_458], %parallel_loop3A_461 {strides = array<i32>} : memref<48x256xf32, #tpu.memory_space<vmem>>, vector<1x16xf32>,
        %parallel_loop3A_462 = arith.index_cast %parallel_loop3A_311 : i32 to index
        %parallel_loop3A_463 = arith.constant 240 : index
        %parallel_loop3A_464 = tpu.vector_load %arg5[%parallel_loop3A_462, %parallel_loop3A_463] {strides = array<i32>} : memref<384x256xf32, #tpu.memory_space<vmem>>, vector<1x16xf32>,
        %parallel_loop3A_465 = vector.shape_cast %parallel_loop3A_464 : vector<1x16xf32> to vector<16xf32>
        %parallel_loop3A_466 = arith.addf %parallel_loop3A_465, %get3A_150 : vector<16xf32>
        %parallel_loop3A_467 = arith.index_cast %parallel_loop3A_310 : i32 to index
        %parallel_loop3A_468 = arith.constant 240 : index
        %parallel_loop3A_469 = tpu.vector_load %arg7[%parallel_loop3A_467, %parallel_loop3A_468] {strides = array<i32>} : memref<48x256xf32, #tpu.memory_space<vmem>>, vector<1x16xf32>,
        %parallel_loop3A_470 = vector.shape_cast %parallel_loop3A_469 : vector<1x16xf32> to vector<16xf32>
        %parallel_loop3A_471 = vector.shape_cast %parallel_loop3A_466 : vector<16xf32> to vector<1x16xf32>
        tpu.vector_store %arg7[%parallel_loop3A_467, %parallel_loop3A_468], %parallel_loop3A_471 {strides = array<i32>} : memref<48x256xf32, #tpu.memory_space<vmem>>, vector<1x16xf32>,
      } {sc.loop_unroll_factor = 8 : i64, sc.parallel_access}
      %shift_right_arithmetic3A_153 = arith.constant 3 : i32
      %shift_right_arithmetic3A_154 = arith.shrsi %add3A_33, %shift_right_arithmetic3A_153 : i32
      %add3A_155 = arith.addi %mul3A_2, %shift_right_arithmetic3A_154 : i32
      %mul3A_156 = arith.constant 384 : i32
      %mul3A_157 = arith.muli %add3A_155, %mul3A_156 : i32
      %and3A_158 = arith.constant 7 : i32
      %and3A_159 = arith.andi %add3A_33, %and3A_158 : i32
      %mul3A_160 = arith.constant 48 : i32
      %mul3A_161 = arith.muli %and3A_159, %mul3A_160 : i32
      %add3A_162 = arith.addi %mul3A_157, %mul3A_161 : i32
      %dma_start3A = arith.constant 0 : i32
      %dma_start3A_163 = tpu.memref_slice %arg4[%add3A_162, %dma_start3A] : memref<61440x256xf32, #tpu.memory_space<hbm>> -> memref<48x256xf32, #tpu.memory_space<hbm>>
      %dma_start3A_164 = arith.constant 0 : i32
      %dma_start3A_165 = tpu.memref_slice %arg4[%add3A_162, %dma_start3A_164] : memref<61440x256xf32, #tpu.memory_space<hbm>> -> memref<48x256xf32, #tpu.memory_space<hbm>>
      tpu.enqueue_dma source(%arg7 : memref<48x256xf32, #tpu.memory_space<vmem>>) target(%dma_start3A_165 : memref<48x256xf32, #tpu.memory_space<hbm>>) target_semaphore(%arg9 : memref<!tpu.dma_semaphore, #tpu.memory_space<semaphore_mem>>)
      %mul3A_166 = arith.constant 2 : i32
      %mul3A_167 = arith.muli %mul3A_166, %scan3A_29 : i32
      %add3A_168 = arith.constant 1 : i32
      %add3A_169 = arith.addi %mul3A_167, %add3A_168 : i32
      %gt3A_170 = arith.constant 0 : i32
      %gt3A_171 = arith.cmpi sgt, %scan3A_29, %gt3A_170 : i32
      %convert_element_type3A_172 = arith.extui %gt3A_171 : i1 to i32
      %cond3A_173 = arith.constant 0 : i32
      %cond3A_174 = arith.cmpi ne, %convert_element_type3A_172, %cond3A_173 : i32
      scf.if %cond3A_174 {
        %sub3A = arith.constant 2 : i32
        %sub3A_310 = arith.subi %add3A_169, %sub3A : i32
        %shift_right_arithmetic3A_311 = arith.constant 3 : i32
        %shift_right_arithmetic3A_312 = arith.shrsi %sub3A_310, %shift_right_arithmetic3A_311 : i32
        %add3A_313 = arith.addi %mul3A_2, %shift_right_arithmetic3A_312 : i32
        %mul3A_314 = arith.constant 384 : i32
        %mul3A_315 = arith.muli %add3A_313, %mul3A_314 : i32
        %and3A_316 = arith.constant 7 : i32
        %and3A_317 = arith.andi %sub3A_310, %and3A_316 : i32
        %mul3A_318 = arith.constant 48 : i32
        %mul3A_319 = arith.muli %and3A_317, %mul3A_318 : i32
        %add3A_320 = arith.addi %mul3A_315, %mul3A_319 : i32
        %dma_wait3A_321 = arith.constant 0 : i32
        %dma_wait3A_322 = tpu.memref_slice %arg4[%add3A_320, %dma_wait3A_321] : memref<61440x256xf32, #tpu.memory_space<hbm>> -> memref<48x256xf32, #tpu.memory_space<hbm>>
        %dma_wait3A_323 = arith.constant 0 : i32
        %dma_wait3A_324 = tpu.memref_slice %arg4[%add3A_320, %dma_wait3A_323] : memref<61440x256xf32, #tpu.memory_space<hbm>> -> memref<48x256xf32, #tpu.memory_space<hbm>>
        tpu.wait_dma2 semaphore(%arg10 : memref<!tpu.dma_semaphore, #tpu.memory_space<semaphore_mem>>) src(%arg8 : memref<48x256xf32, #tpu.memory_space<vmem>>) dst(%dma_wait3A_324 : memref<48x256xf32, #tpu.memory_space<hbm>>)
      } else {
      }
      %shift_right_arithmetic3A_175 = arith.constant 3 : i32
      %shift_right_arithmetic3A_176 = arith.shrsi %add3A_169, %shift_right_arithmetic3A_175 : i32
      %and3A_177 = arith.constant 7 : i32
      %and3A_178 = arith.andi %add3A_169, %and3A_177 : i32
      %mul3A_179 = arith.constant 48 : i32
      %mul3A_180 = arith.muli %and3A_178, %mul3A_179 : i32
      %mul3A_181 = arith.constant 256 : i32
      %mul3A_182 = arith.muli %shift_right_arithmetic3A_176, %mul3A_181 : i32
      %add3A_183 = arith.constant 0 : i32
      %add3A_184 = arith.addi %mul3A_182, %add3A_183 : i32
      %get3A_185 = arith.index_cast %add3A_184 : i32 to index
      %get3A_186 = tpu.vector_load %arg6[%get3A_185] {strides = array<i32>} : memref<1280xf32, #tpu.memory_space<vmem>>, vector<16xf32>,
      %get3A_187 = vector.shape_cast %get3A_186 : vector<16xf32> to vector<16xf32>
      %mul3A_188 = arith.constant 256 : i32
      %mul3A_189 = arith.muli %shift_right_arithmetic3A_176, %mul3A_188 : i32
      %add3A_190 = arith.constant 16 : i32
      %add3A_191 = arith.addi %mul3A_189, %add3A_190 : i32
      %get3A_192 = arith.index_cast %add3A_191 : i32 to index
      %get3A_193 = tpu.vector_load %arg6[%get3A_192] {strides = array<i32>} : memref<1280xf32, #tpu.memory_space<vmem>>, vector<16xf32>,
      %get3A_194 = vector.shape_cast %get3A_193 : vector<16xf32> to vector<16xf32>
      %mul3A_195 = arith.constant 256 : i32
      %mul3A_196 = arith.muli %shift_right_arithmetic3A_176, %mul3A_195 : i32
      %add3A_197 = arith.constant 32 : i32
      %add3A_198 = arith.addi %mul3A_196, %add3A_197 : i32
      %get3A_199 = arith.index_cast %add3A_198 : i32 to index
      %get3A_200 = tpu.vector_load %arg6[%get3A_199] {strides = array<i32>} : memref<1280xf32, #tpu.memory_space<vmem>>, vector<16xf32>,
      %get3A_201 = vector.shape_cast %get3A_200 : vector<16xf32> to vector<16xf32>
      %mul3A_202 = arith.constant 256 : i32
      %mul3A_203 = arith.muli %shift_right_arithmetic3A_176, %mul3A_202 : i32
      %add3A_204 = arith.constant 48 : i32
      %add3A_205 = arith.addi %mul3A_203, %add3A_204 : i32
      %get3A_206 = arith.index_cast %add3A_205 : i32 to index
      %get3A_207 = tpu.vector_load %arg6[%get3A_206] {strides = array<i32>} : memref<1280xf32, #tpu.memory_space<vmem>>, vector<16xf32>,
      %get3A_208 = vector.shape_cast %get3A_207 : vector<16xf32> to vector<16xf32>
      %mul3A_209 = arith.constant 256 : i32
      %mul3A_210 = arith.muli %shift_right_arithmetic3A_176, %mul3A_209 : i32
      %add3A_211 = arith.constant 64 : i32
      %add3A_212 = arith.addi %mul3A_210, %add3A_211 : i32
      %get3A_213 = arith.index_cast %add3A_212 : i32 to index
      %get3A_214 = tpu.vector_load %arg6[%get3A_213] {strides = array<i32>} : memref<1280xf32, #tpu.memory_space<vmem>>, vector<16xf32>,
      %get3A_215 = vector.shape_cast %get3A_214 : vector<16xf32> to vector<16xf32>
      %mul3A_216 = arith.constant 256 : i32
      %mul3A_217 = arith.muli %shift_right_arithmetic3A_176, %mul3A_216 : i32
      %add3A_218 = arith.constant 80 : i32
      %add3A_219 = arith.addi %mul3A_217, %add3A_218 : i32
      %get3A_220 = arith.index_cast %add3A_219 : i32 to index
      %get3A_221 = tpu.vector_load %arg6[%get3A_220] {strides = array<i32>} : memref<1280xf32, #tpu.memory_space<vmem>>, vector<16xf32>,
      %get3A_222 = vector.shape_cast %get3A_221 : vector<16xf32> to vector<16xf32>
      %mul3A_223 = arith.constant 256 : i32
      %mul3A_224 = arith.muli %shift_right_arithmetic3A_176, %mul3A_223 : i32
      %add3A_225 = arith.constant 96 : i32
      %add3A_226 = arith.addi %mul3A_224, %add3A_225 : i32
      %get3A_227 = arith.index_cast %add3A_226 : i32 to index
      %get3A_228 = tpu.vector_load %arg6[%get3A_227] {strides = array<i32>} : memref<1280xf32, #tpu.memory_space<vmem>>, vector<16xf32>,
      %get3A_229 = vector.shape_cast %get3A_228 : vector<16xf32> to vector<16xf32>
      %mul3A_230 = arith.constant 256 : i32
      %mul3A_231 = arith.muli %shift_right_arithmetic3A_176, %mul3A_230 : i32
      %add3A_232 = arith.constant 112 : i32
      %add3A_233 = arith.addi %mul3A_231, %add3A_232 : i32
      %get3A_234 = arith.index_cast %add3A_233 : i32 to index
      %get3A_235 = tpu.vector_load %arg6[%get3A_234] {strides = array<i32>} : memref<1280xf32, #tpu.memory_space<vmem>>, vector<16xf32>,
      %get3A_236 = vector.shape_cast %get3A_235 : vector<16xf32> to vector<16xf32>
      %mul3A_237 = arith.constant 256 : i32
      %mul3A_238 = arith.muli %shift_right_arithmetic3A_176, %mul3A_237 : i32
      %add3A_239 = arith.constant 128 : i32
      %add3A_240 = arith.addi %mul3A_238, %add3A_239 : i32
      %get3A_241 = arith.index_cast %add3A_240 : i32 to index
      %get3A_242 = tpu.vector_load %arg6[%get3A_241] {strides = array<i32>} : memref<1280xf32, #tpu.memory_space<vmem>>, vector<16xf32>,
      %get3A_243 = vector.shape_cast %get3A_242 : vector<16xf32> to vector<16xf32>
      %mul3A_244 = arith.constant 256 : i32
      %mul3A_245 = arith.muli %shift_right_arithmetic3A_176, %mul3A_244 : i32
      %add3A_246 = arith.constant 144 : i32
      %add3A_247 = arith.addi %mul3A_245, %add3A_246 : i32
      %get3A_248 = arith.index_cast %add3A_247 : i32 to index
      %get3A_249 = tpu.vector_load %arg6[%get3A_248] {strides = array<i32>} : memref<1280xf32, #tpu.memory_space<vmem>>, vector<16xf32>,
      %get3A_250 = vector.shape_cast %get3A_249 : vector<16xf32> to vector<16xf32>
      %mul3A_251 = arith.constant 256 : i32
      %mul3A_252 = arith.muli %shift_right_arithmetic3A_176, %mul3A_251 : i32
      %add3A_253 = arith.constant 160 : i32
      %add3A_254 = arith.addi %mul3A_252, %add3A_253 : i32
      %get3A_255 = arith.index_cast %add3A_254 : i32 to index
      %get3A_256 = tpu.vector_load %arg6[%get3A_255] {strides = array<i32>} : memref<1280xf32, #tpu.memory_space<vmem>>, vector<16xf32>,
      %get3A_257 = vector.shape_cast %get3A_256 : vector<16xf32> to vector<16xf32>
      %mul3A_258 = arith.constant 256 : i32
      %mul3A_259 = arith.muli %shift_right_arithmetic3A_176, %mul3A_258 : i32
      %add3A_260 = arith.constant 176 : i32
      %add3A_261 = arith.addi %mul3A_259, %add3A_260 : i32
      %get3A_262 = arith.index_cast %add3A_261 : i32 to index
      %get3A_263 = tpu.vector_load %arg6[%get3A_262] {strides = array<i32>} : memref<1280xf32, #tpu.memory_space<vmem>>, vector<16xf32>,
      %get3A_264 = vector.shape_cast %get3A_263 : vector<16xf32> to vector<16xf32>
      %mul3A_265 = arith.constant 256 : i32
      %mul3A_266 = arith.muli %shift_right_arithmetic3A_176, %mul3A_265 : i32
      %add3A_267 = arith.constant 192 : i32
      %add3A_268 = arith.addi %mul3A_266, %add3A_267 : i32
      %get3A_269 = arith.index_cast %add3A_268 : i32 to index
      %get3A_270 = tpu.vector_load %arg6[%get3A_269] {strides = array<i32>} : memref<1280xf32, #tpu.memory_space<vmem>>, vector<16xf32>,
      %get3A_271 = vector.shape_cast %get3A_270 : vector<16xf32> to vector<16xf32>
      %mul3A_272 = arith.constant 256 : i32
      %mul3A_273 = arith.muli %shift_right_arithmetic3A_176, %mul3A_272 : i32
      %add3A_274 = arith.constant 208 : i32
      %add3A_275 = arith.addi %mul3A_273, %add3A_274 : i32
      %get3A_276 = arith.index_cast %add3A_275 : i32 to index
      %get3A_277 = tpu.vector_load %arg6[%get3A_276] {strides = array<i32>} : memref<1280xf32, #tpu.memory_space<vmem>>, vector<16xf32>,
      %get3A_278 = vector.shape_cast %get3A_277 : vector<16xf32> to vector<16xf32>
      %mul3A_279 = arith.constant 256 : i32
      %mul3A_280 = arith.muli %shift_right_arithmetic3A_176, %mul3A_279 : i32
      %add3A_281 = arith.constant 224 : i32
      %add3A_282 = arith.addi %mul3A_280, %add3A_281 : i32
      %get3A_283 = arith.index_cast %add3A_282 : i32 to index
      %get3A_284 = tpu.vector_load %arg6[%get3A_283] {strides = array<i32>} : memref<1280xf32, #tpu.memory_space<vmem>>, vector<16xf32>,
      %get3A_285 = vector.shape_cast %get3A_284 : vector<16xf32> to vector<16xf32>
      %mul3A_286 = arith.constant 256 : i32
      %mul3A_287 = arith.muli %shift_right_arithmetic3A_176, %mul3A_286 : i32
      %add3A_288 = arith.constant 240 : i32
      %add3A_289 = arith.addi %mul3A_287, %add3A_288 : i32
      %get3A_290 = arith.index_cast %add3A_289 : i32 to index
      %get3A_291 = tpu.vector_load %arg6[%get3A_290] {strides = array<i32>} : memref<1280xf32, #tpu.memory_space<vmem>>, vector<16xf32>,
      %get3A_292 = vector.shape_cast %get3A_291 : vector<16xf32> to vector<16xf32>
      %parallel_loop3A_293 = arith.constant 0 : i32
      %parallel_loop3A_294 = arith.constant 48 : i32
      %parallel_loop3A_295 = arith.constant 1 : i32
      scf.for %parallel_loop3A_310 = %parallel_loop3A_293 to %parallel_loop3A_294 step %parallel_loop3A_295  : i32 {
        %parallel_loop3A_311 = arith.addi %mul3A_180, %parallel_loop3A_310 : i32
        %parallel_loop3A_312 = arith.index_cast %parallel_loop3A_311 : i32 to index
        %parallel_loop3A_313 = arith.constant 0 : index
        %parallel_loop3A_314 = tpu.vector_load %arg5[%parallel_loop3A_312, %parallel_loop3A_313] {strides = array<i32>} : memref<384x256xf32, #tpu.memory_space<vmem>>, vector<1x16xf32>,
        %parallel_loop3A_315 = vector.shape_cast %parallel_loop3A_314 : vector<1x16xf32> to vector<16xf32>
        %parallel_loop3A_316 = arith.addf %parallel_loop3A_315, %get3A_187 : vector<16xf32>
        %parallel_loop3A_317 = arith.index_cast %parallel_loop3A_310 : i32 to index
        %parallel_loop3A_318 = arith.constant 0 : index
        %parallel_loop3A_319 = tpu.vector_load %arg8[%parallel_loop3A_317, %parallel_loop3A_318] {strides = array<i32>} : memref<48x256xf32, #tpu.memory_space<vmem>>, vector<1x16xf32>,
        %parallel_loop3A_320 = vector.shape_cast %parallel_loop3A_319 : vector<1x16xf32> to vector<16xf32>
        %parallel_loop3A_321 = vector.shape_cast %parallel_loop3A_316 : vector<16xf32> to vector<1x16xf32>
        tpu.vector_store %arg8[%parallel_loop3A_317, %parallel_loop3A_318], %parallel_loop3A_321 {strides = array<i32>} : memref<48x256xf32, #tpu.memory_space<vmem>>, vector<1x16xf32>,
        %parallel_loop3A_322 = arith.index_cast %parallel_loop3A_311 : i32 to index
        %parallel_loop3A_323 = arith.constant 16 : index
        %parallel_loop3A_324 = tpu.vector_load %arg5[%parallel_loop3A_322, %parallel_loop3A_323] {strides = array<i32>} : memref<384x256xf32, #tpu.memory_space<vmem>>, vector<1x16xf32>,
        %parallel_loop3A_325 = vector.shape_cast %parallel_loop3A_324 : vector<1x16xf32> to vector<16xf32>
        %parallel_loop3A_326 = arith.addf %parallel_loop3A_325, %get3A_194 : vector<16xf32>
        %parallel_loop3A_327 = arith.index_cast %parallel_loop3A_310 : i32 to index
        %parallel_loop3A_328 = arith.constant 16 : index
        %parallel_loop3A_329 = tpu.vector_load %arg8[%parallel_loop3A_327, %parallel_loop3A_328] {strides = array<i32>} : memref<48x256xf32, #tpu.memory_space<vmem>>, vector<1x16xf32>,
        %parallel_loop3A_330 = vector.shape_cast %parallel_loop3A_329 : vector<1x16xf32> to vector<16xf32>
        %parallel_loop3A_331 = vector.shape_cast %parallel_loop3A_326 : vector<16xf32> to vector<1x16xf32>
        tpu.vector_store %arg8[%parallel_loop3A_327, %parallel_loop3A_328], %parallel_loop3A_331 {strides = array<i32>} : memref<48x256xf32, #tpu.memory_space<vmem>>, vector<1x16xf32>,
        %parallel_loop3A_332 = arith.index_cast %parallel_loop3A_311 : i32 to index
        %parallel_loop3A_333 = arith.constant 32 : index
        %parallel_loop3A_334 = tpu.vector_load %arg5[%parallel_loop3A_332, %parallel_loop3A_333] {strides = array<i32>} : memref<384x256xf32, #tpu.memory_space<vmem>>, vector<1x16xf32>,
        %parallel_loop3A_335 = vector.shape_cast %parallel_loop3A_334 : vector<1x16xf32> to vector<16xf32>
        %parallel_loop3A_336 = arith.addf %parallel_loop3A_335, %get3A_201 : vector<16xf32>
        %parallel_loop3A_337 = arith.index_cast %parallel_loop3A_310 : i32 to index
        %parallel_loop3A_338 = arith.constant 32 : index
        %parallel_loop3A_339 = tpu.vector_load %arg8[%parallel_loop3A_337, %parallel_loop3A_338] {strides = array<i32>} : memref<48x256xf32, #tpu.memory_space<vmem>>, vector<1x16xf32>,
        %parallel_loop3A_340 = vector.shape_cast %parallel_loop3A_339 : vector<1x16xf32> to vector<16xf32>
        %parallel_loop3A_341 = vector.shape_cast %parallel_loop3A_336 : vector<16xf32> to vector<1x16xf32>
        tpu.vector_store %arg8[%parallel_loop3A_337, %parallel_loop3A_338], %parallel_loop3A_341 {strides = array<i32>} : memref<48x256xf32, #tpu.memory_space<vmem>>, vector<1x16xf32>,
        %parallel_loop3A_342 = arith.index_cast %parallel_loop3A_311 : i32 to index
        %parallel_loop3A_343 = arith.constant 48 : index
        %parallel_loop3A_344 = tpu.vector_load %arg5[%parallel_loop3A_342, %parallel_loop3A_343] {strides = array<i32>} : memref<384x256xf32, #tpu.memory_space<vmem>>, vector<1x16xf32>,
        %parallel_loop3A_345 = vector.shape_cast %parallel_loop3A_344 : vector<1x16xf32> to vector<16xf32>
        %parallel_loop3A_346 = arith.addf %parallel_loop3A_345, %get3A_208 : vector<16xf32>
        %parallel_loop3A_347 = arith.index_cast %parallel_loop3A_310 : i32 to index
        %parallel_loop3A_348 = arith.constant 48 : index
        %parallel_loop3A_349 = tpu.vector_load %arg8[%parallel_loop3A_347, %parallel_loop3A_348] {strides = array<i32>} : memref<48x256xf32, #tpu.memory_space<vmem>>, vector<1x16xf32>,
        %parallel_loop3A_350 = vector.shape_cast %parallel_loop3A_349 : vector<1x16xf32> to vector<16xf32>
        %parallel_loop3A_351 = vector.shape_cast %parallel_loop3A_346 : vector<16xf32> to vector<1x16xf32>
        tpu.vector_store %arg8[%parallel_loop3A_347, %parallel_loop3A_348], %parallel_loop3A_351 {strides = array<i32>} : memref<48x256xf32, #tpu.memory_space<vmem>>, vector<1x16xf32>,
        %parallel_loop3A_352 = arith.index_cast %parallel_loop3A_311 : i32 to index
        %parallel_loop3A_353 = arith.constant 64 : index
        %parallel_loop3A_354 = tpu.vector_load %arg5[%parallel_loop3A_352, %parallel_loop3A_353] {strides = array<i32>} : memref<384x256xf32, #tpu.memory_space<vmem>>, vector<1x16xf32>,
        %parallel_loop3A_355 = vector.shape_cast %parallel_loop3A_354 : vector<1x16xf32> to vector<16xf32>
        %parallel_loop3A_356 = arith.addf %parallel_loop3A_355, %get3A_215 : vector<16xf32>
        %parallel_loop3A_357 = arith.index_cast %parallel_loop3A_310 : i32 to index
        %parallel_loop3A_358 = arith.constant 64 : index
        %parallel_loop3A_359 = tpu.vector_load %arg8[%parallel_loop3A_357, %parallel_loop3A_358] {strides = array<i32>} : memref<48x256xf32, #tpu.memory_space<vmem>>, vector<1x16xf32>,
        %parallel_loop3A_360 = vector.shape_cast %parallel_loop3A_359 : vector<1x16xf32> to vector<16xf32>
        %parallel_loop3A_361 = vector.shape_cast %parallel_loop3A_356 : vector<16xf32> to vector<1x16xf32>
        tpu.vector_store %arg8[%parallel_loop3A_357, %parallel_loop3A_358], %parallel_loop3A_361 {strides = array<i32>} : memref<48x256xf32, #tpu.memory_space<vmem>>, vector<1x16xf32>,
        %parallel_loop3A_362 = arith.index_cast %parallel_loop3A_311 : i32 to index
        %parallel_loop3A_363 = arith.constant 80 : index
        %parallel_loop3A_364 = tpu.vector_load %arg5[%parallel_loop3A_362, %parallel_loop3A_363] {strides = array<i32>} : memref<384x256xf32, #tpu.memory_space<vmem>>, vector<1x16xf32>,
        %parallel_loop3A_365 = vector.shape_cast %parallel_loop3A_364 : vector<1x16xf32> to vector<16xf32>
        %parallel_loop3A_366 = arith.addf %parallel_loop3A_365, %get3A_222 : vector<16xf32>
        %parallel_loop3A_367 = arith.index_cast %parallel_loop3A_310 : i32 to index
        %parallel_loop3A_368 = arith.constant 80 : index
        %parallel_loop3A_369 = tpu.vector_load %arg8[%parallel_loop3A_367, %parallel_loop3A_368] {strides = array<i32>} : memref<48x256xf32, #tpu.memory_space<vmem>>, vector<1x16xf32>,
        %parallel_loop3A_370 = vector.shape_cast %parallel_loop3A_369 : vector<1x16xf32> to vector<16xf32>
        %parallel_loop3A_371 = vector.shape_cast %parallel_loop3A_366 : vector<16xf32> to vector<1x16xf32>
        tpu.vector_store %arg8[%parallel_loop3A_367, %parallel_loop3A_368], %parallel_loop3A_371 {strides = array<i32>} : memref<48x256xf32, #tpu.memory_space<vmem>>, vector<1x16xf32>,
        %parallel_loop3A_372 = arith.index_cast %parallel_loop3A_311 : i32 to index
        %parallel_loop3A_373 = arith.constant 96 : index
        %parallel_loop3A_374 = tpu.vector_load %arg5[%parallel_loop3A_372, %parallel_loop3A_373] {strides = array<i32>} : memref<384x256xf32, #tpu.memory_space<vmem>>, vector<1x16xf32>,
        %parallel_loop3A_375 = vector.shape_cast %parallel_loop3A_374 : vector<1x16xf32> to vector<16xf32>
        %parallel_loop3A_376 = arith.addf %parallel_loop3A_375, %get3A_229 : vector<16xf32>
        %parallel_loop3A_377 = arith.index_cast %parallel_loop3A_310 : i32 to index
        %parallel_loop3A_378 = arith.constant 96 : index
        %parallel_loop3A_379 = tpu.vector_load %arg8[%parallel_loop3A_377, %parallel_loop3A_378] {strides = array<i32>} : memref<48x256xf32, #tpu.memory_space<vmem>>, vector<1x16xf32>,
        %parallel_loop3A_380 = vector.shape_cast %parallel_loop3A_379 : vector<1x16xf32> to vector<16xf32>
        %parallel_loop3A_381 = vector.shape_cast %parallel_loop3A_376 : vector<16xf32> to vector<1x16xf32>
        tpu.vector_store %arg8[%parallel_loop3A_377, %parallel_loop3A_378], %parallel_loop3A_381 {strides = array<i32>} : memref<48x256xf32, #tpu.memory_space<vmem>>, vector<1x16xf32>,
        %parallel_loop3A_382 = arith.index_cast %parallel_loop3A_311 : i32 to index
        %parallel_loop3A_383 = arith.constant 112 : index
        %parallel_loop3A_384 = tpu.vector_load %arg5[%parallel_loop3A_382, %parallel_loop3A_383] {strides = array<i32>} : memref<384x256xf32, #tpu.memory_space<vmem>>, vector<1x16xf32>,
        %parallel_loop3A_385 = vector.shape_cast %parallel_loop3A_384 : vector<1x16xf32> to vector<16xf32>
        %parallel_loop3A_386 = arith.addf %parallel_loop3A_385, %get3A_236 : vector<16xf32>
        %parallel_loop3A_387 = arith.index_cast %parallel_loop3A_310 : i32 to index
        %parallel_loop3A_388 = arith.constant 112 : index
        %parallel_loop3A_389 = tpu.vector_load %arg8[%parallel_loop3A_387, %parallel_loop3A_388] {strides = array<i32>} : memref<48x256xf32, #tpu.memory_space<vmem>>, vector<1x16xf32>,
        %parallel_loop3A_390 = vector.shape_cast %parallel_loop3A_389 : vector<1x16xf32> to vector<16xf32>
        %parallel_loop3A_391 = vector.shape_cast %parallel_loop3A_386 : vector<16xf32> to vector<1x16xf32>
        tpu.vector_store %arg8[%parallel_loop3A_387, %parallel_loop3A_388], %parallel_loop3A_391 {strides = array<i32>} : memref<48x256xf32, #tpu.memory_space<vmem>>, vector<1x16xf32>,
        %parallel_loop3A_392 = arith.index_cast %parallel_loop3A_311 : i32 to index
        %parallel_loop3A_393 = arith.constant 128 : index
        %parallel_loop3A_394 = tpu.vector_load %arg5[%parallel_loop3A_392, %parallel_loop3A_393] {strides = array<i32>} : memref<384x256xf32, #tpu.memory_space<vmem>>, vector<1x16xf32>,
        %parallel_loop3A_395 = vector.shape_cast %parallel_loop3A_394 : vector<1x16xf32> to vector<16xf32>
        %parallel_loop3A_396 = arith.addf %parallel_loop3A_395, %get3A_243 : vector<16xf32>
        %parallel_loop3A_397 = arith.index_cast %parallel_loop3A_310 : i32 to index
        %parallel_loop3A_398 = arith.constant 128 : index
        %parallel_loop3A_399 = tpu.vector_load %arg8[%parallel_loop3A_397, %parallel_loop3A_398] {strides = array<i32>} : memref<48x256xf32, #tpu.memory_space<vmem>>, vector<1x16xf32>,
        %parallel_loop3A_400 = vector.shape_cast %parallel_loop3A_399 : vector<1x16xf32> to vector<16xf32>
        %parallel_loop3A_401 = vector.shape_cast %parallel_loop3A_396 : vector<16xf32> to vector<1x16xf32>
        tpu.vector_store %arg8[%parallel_loop3A_397, %parallel_loop3A_398], %parallel_loop3A_401 {strides = array<i32>} : memref<48x256xf32, #tpu.memory_space<vmem>>, vector<1x16xf32>,
        %parallel_loop3A_402 = arith.index_cast %parallel_loop3A_311 : i32 to index
        %parallel_loop3A_403 = arith.constant 144 : index
        %parallel_loop3A_404 = tpu.vector_load %arg5[%parallel_loop3A_402, %parallel_loop3A_403] {strides = array<i32>} : memref<384x256xf32, #tpu.memory_space<vmem>>, vector<1x16xf32>,
        %parallel_loop3A_405 = vector.shape_cast %parallel_loop3A_404 : vector<1x16xf32> to vector<16xf32>
        %parallel_loop3A_406 = arith.addf %parallel_loop3A_405, %get3A_250 : vector<16xf32>
        %parallel_loop3A_407 = arith.index_cast %parallel_loop3A_310 : i32 to index
        %parallel_loop3A_408 = arith.constant 144 : index
        %parallel_loop3A_409 = tpu.vector_load %arg8[%parallel_loop3A_407, %parallel_loop3A_408] {strides = array<i32>} : memref<48x256xf32, #tpu.memory_space<vmem>>, vector<1x16xf32>,
        %parallel_loop3A_410 = vector.shape_cast %parallel_loop3A_409 : vector<1x16xf32> to vector<16xf32>
        %parallel_loop3A_411 = vector.shape_cast %parallel_loop3A_406 : vector<16xf32> to vector<1x16xf32>
        tpu.vector_store %arg8[%parallel_loop3A_407, %parallel_loop3A_408], %parallel_loop3A_411 {strides = array<i32>} : memref<48x256xf32, #tpu.memory_space<vmem>>, vector<1x16xf32>,
        %parallel_loop3A_412 = arith.index_cast %parallel_loop3A_311 : i32 to index
        %parallel_loop3A_413 = arith.constant 160 : index
        %parallel_loop3A_414 = tpu.vector_load %arg5[%parallel_loop3A_412, %parallel_loop3A_413] {strides = array<i32>} : memref<384x256xf32, #tpu.memory_space<vmem>>, vector<1x16xf32>,
        %parallel_loop3A_415 = vector.shape_cast %parallel_loop3A_414 : vector<1x16xf32> to vector<16xf32>
        %parallel_loop3A_416 = arith.addf %parallel_loop3A_415, %get3A_257 : vector<16xf32>
        %parallel_loop3A_417 = arith.index_cast %parallel_loop3A_310 : i32 to index
        %parallel_loop3A_418 = arith.constant 160 : index
        %parallel_loop3A_419 = tpu.vector_load %arg8[%parallel_loop3A_417, %parallel_loop3A_418] {strides = array<i32>} : memref<48x256xf32, #tpu.memory_space<vmem>>, vector<1x16xf32>,
        %parallel_loop3A_420 = vector.shape_cast %parallel_loop3A_419 : vector<1x16xf32> to vector<16xf32>
        %parallel_loop3A_421 = vector.shape_cast %parallel_loop3A_416 : vector<16xf32> to vector<1x16xf32>
        tpu.vector_store %arg8[%parallel_loop3A_417, %parallel_loop3A_418], %parallel_loop3A_421 {strides = array<i32>} : memref<48x256xf32, #tpu.memory_space<vmem>>, vector<1x16xf32>,
        %parallel_loop3A_422 = arith.index_cast %parallel_loop3A_311 : i32 to index
        %parallel_loop3A_423 = arith.constant 176 : index
        %parallel_loop3A_424 = tpu.vector_load %arg5[%parallel_loop3A_422, %parallel_loop3A_423] {strides = array<i32>} : memref<384x256xf32, #tpu.memory_space<vmem>>, vector<1x16xf32>,
        %parallel_loop3A_425 = vector.shape_cast %parallel_loop3A_424 : vector<1x16xf32> to vector<16xf32>
        %parallel_loop3A_426 = arith.addf %parallel_loop3A_425, %get3A_264 : vector<16xf32>
        %parallel_loop3A_427 = arith.index_cast %parallel_loop3A_310 : i32 to index
        %parallel_loop3A_428 = arith.constant 176 : index
        %parallel_loop3A_429 = tpu.vector_load %arg8[%parallel_loop3A_427, %parallel_loop3A_428] {strides = array<i32>} : memref<48x256xf32, #tpu.memory_space<vmem>>, vector<1x16xf32>,
        %parallel_loop3A_430 = vector.shape_cast %parallel_loop3A_429 : vector<1x16xf32> to vector<16xf32>
        %parallel_loop3A_431 = vector.shape_cast %parallel_loop3A_426 : vector<16xf32> to vector<1x16xf32>
        tpu.vector_store %arg8[%parallel_loop3A_427, %parallel_loop3A_428], %parallel_loop3A_431 {strides = array<i32>} : memref<48x256xf32, #tpu.memory_space<vmem>>, vector<1x16xf32>,
        %parallel_loop3A_432 = arith.index_cast %parallel_loop3A_311 : i32 to index
        %parallel_loop3A_433 = arith.constant 192 : index
        %parallel_loop3A_434 = tpu.vector_load %arg5[%parallel_loop3A_432, %parallel_loop3A_433] {strides = array<i32>} : memref<384x256xf32, #tpu.memory_space<vmem>>, vector<1x16xf32>,
        %parallel_loop3A_435 = vector.shape_cast %parallel_loop3A_434 : vector<1x16xf32> to vector<16xf32>
        %parallel_loop3A_436 = arith.addf %parallel_loop3A_435, %get3A_271 : vector<16xf32>
        %parallel_loop3A_437 = arith.index_cast %parallel_loop3A_310 : i32 to index
        %parallel_loop3A_438 = arith.constant 192 : index
        %parallel_loop3A_439 = tpu.vector_load %arg8[%parallel_loop3A_437, %parallel_loop3A_438] {strides = array<i32>} : memref<48x256xf32, #tpu.memory_space<vmem>>, vector<1x16xf32>,
        %parallel_loop3A_440 = vector.shape_cast %parallel_loop3A_439 : vector<1x16xf32> to vector<16xf32>
        %parallel_loop3A_441 = vector.shape_cast %parallel_loop3A_436 : vector<16xf32> to vector<1x16xf32>
        tpu.vector_store %arg8[%parallel_loop3A_437, %parallel_loop3A_438], %parallel_loop3A_441 {strides = array<i32>} : memref<48x256xf32, #tpu.memory_space<vmem>>, vector<1x16xf32>,
        %parallel_loop3A_442 = arith.index_cast %parallel_loop3A_311 : i32 to index
        %parallel_loop3A_443 = arith.constant 208 : index
        %parallel_loop3A_444 = tpu.vector_load %arg5[%parallel_loop3A_442, %parallel_loop3A_443] {strides = array<i32>} : memref<384x256xf32, #tpu.memory_space<vmem>>, vector<1x16xf32>,
        %parallel_loop3A_445 = vector.shape_cast %parallel_loop3A_444 : vector<1x16xf32> to vector<16xf32>
        %parallel_loop3A_446 = arith.addf %parallel_loop3A_445, %get3A_278 : vector<16xf32>
        %parallel_loop3A_447 = arith.index_cast %parallel_loop3A_310 : i32 to index
        %parallel_loop3A_448 = arith.constant 208 : index
        %parallel_loop3A_449 = tpu.vector_load %arg8[%parallel_loop3A_447, %parallel_loop3A_448] {strides = array<i32>} : memref<48x256xf32, #tpu.memory_space<vmem>>, vector<1x16xf32>,
        %parallel_loop3A_450 = vector.shape_cast %parallel_loop3A_449 : vector<1x16xf32> to vector<16xf32>
        %parallel_loop3A_451 = vector.shape_cast %parallel_loop3A_446 : vector<16xf32> to vector<1x16xf32>
        tpu.vector_store %arg8[%parallel_loop3A_447, %parallel_loop3A_448], %parallel_loop3A_451 {strides = array<i32>} : memref<48x256xf32, #tpu.memory_space<vmem>>, vector<1x16xf32>,
        %parallel_loop3A_452 = arith.index_cast %parallel_loop3A_311 : i32 to index
        %parallel_loop3A_453 = arith.constant 224 : index
        %parallel_loop3A_454 = tpu.vector_load %arg5[%parallel_loop3A_452, %parallel_loop3A_453] {strides = array<i32>} : memref<384x256xf32, #tpu.memory_space<vmem>>, vector<1x16xf32>,
        %parallel_loop3A_455 = vector.shape_cast %parallel_loop3A_454 : vector<1x16xf32> to vector<16xf32>
        %parallel_loop3A_456 = arith.addf %parallel_loop3A_455, %get3A_285 : vector<16xf32>
        %parallel_loop3A_457 = arith.index_cast %parallel_loop3A_310 : i32 to index
        %parallel_loop3A_458 = arith.constant 224 : index
        %parallel_loop3A_459 = tpu.vector_load %arg8[%parallel_loop3A_457, %parallel_loop3A_458] {strides = array<i32>} : memref<48x256xf32, #tpu.memory_space<vmem>>, vector<1x16xf32>,
        %parallel_loop3A_460 = vector.shape_cast %parallel_loop3A_459 : vector<1x16xf32> to vector<16xf32>
        %parallel_loop3A_461 = vector.shape_cast %parallel_loop3A_456 : vector<16xf32> to vector<1x16xf32>
        tpu.vector_store %arg8[%parallel_loop3A_457, %parallel_loop3A_458], %parallel_loop3A_461 {strides = array<i32>} : memref<48x256xf32, #tpu.memory_space<vmem>>, vector<1x16xf32>,
        %parallel_loop3A_462 = arith.index_cast %parallel_loop3A_311 : i32 to index
        %parallel_loop3A_463 = arith.constant 240 : index
        %parallel_loop3A_464 = tpu.vector_load %arg5[%parallel_loop3A_462, %parallel_loop3A_463] {strides = array<i32>} : memref<384x256xf32, #tpu.memory_space<vmem>>, vector<1x16xf32>,
        %parallel_loop3A_465 = vector.shape_cast %parallel_loop3A_464 : vector<1x16xf32> to vector<16xf32>
        %parallel_loop3A_466 = arith.addf %parallel_loop3A_465, %get3A_292 : vector<16xf32>
        %parallel_loop3A_467 = arith.index_cast %parallel_loop3A_310 : i32 to index
        %parallel_loop3A_468 = arith.constant 240 : index
        %parallel_loop3A_469 = tpu.vector_load %arg8[%parallel_loop3A_467, %parallel_loop3A_468] {strides = array<i32>} : memref<48x256xf32, #tpu.memory_space<vmem>>, vector<1x16xf32>,
        %parallel_loop3A_470 = vector.shape_cast %parallel_loop3A_469 : vector<1x16xf32> to vector<16xf32>
        %parallel_loop3A_471 = vector.shape_cast %parallel_loop3A_466 : vector<16xf32> to vector<1x16xf32>
        tpu.vector_store %arg8[%parallel_loop3A_467, %parallel_loop3A_468], %parallel_loop3A_471 {strides = array<i32>} : memref<48x256xf32, #tpu.memory_space<vmem>>, vector<1x16xf32>,
      } {sc.loop_unroll_factor = 8 : i64, sc.parallel_access}
      %shift_right_arithmetic3A_296 = arith.constant 3 : i32
      %shift_right_arithmetic3A_297 = arith.shrsi %add3A_169, %shift_right_arithmetic3A_296 : i32
      %add3A_298 = arith.addi %mul3A_2, %shift_right_arithmetic3A_297 : i32
      %mul3A_299 = arith.constant 384 : i32
      %mul3A_300 = arith.muli %add3A_298, %mul3A_299 : i32
      %and3A_301 = arith.constant 7 : i32
      %and3A_302 = arith.andi %add3A_169, %and3A_301 : i32
      %mul3A_303 = arith.constant 48 : i32
      %mul3A_304 = arith.muli %and3A_302, %mul3A_303 : i32
      %add3A_305 = arith.addi %mul3A_300, %mul3A_304 : i32
      %dma_start3A_306 = arith.constant 0 : i32
      %dma_start3A_307 = tpu.memref_slice %arg4[%add3A_305, %dma_start3A_306] : memref<61440x256xf32, #tpu.memory_space<hbm>> -> memref<48x256xf32, #tpu.memory_space<hbm>>
      %dma_start3A_308 = arith.constant 0 : i32
      %dma_start3A_309 = tpu.memref_slice %arg4[%add3A_305, %dma_start3A_308] : memref<61440x256xf32, #tpu.memory_space<hbm>> -> memref<48x256xf32, #tpu.memory_space<hbm>>
      tpu.enqueue_dma source(%arg8 : memref<48x256xf32, #tpu.memory_space<vmem>>) target(%dma_start3A_309 : memref<48x256xf32, #tpu.memory_space<hbm>>) target_semaphore(%arg10 : memref<!tpu.dma_semaphore, #tpu.memory_space<semaphore_mem>>)
    }
    %scan3A_9 = arith.constant 20 : i32
    %add3A_10 = arith.constant 4 : i32
    %add3A_11 = arith.addi %mul3A_2, %add3A_10 : i32
    %mul3A_12 = arith.constant 384 : i32
    %mul3A_13 = arith.muli %add3A_11, %mul3A_12 : i32
    %add3A_14 = arith.constant 288 : i32
    %add3A_15 = arith.addi %mul3A_13, %add3A_14 : i32
    %dma_wait3A = arith.constant 0 : i32
    %dma_wait3A_16 = tpu.memref_slice %arg4[%add3A_15, %dma_wait3A] : memref<61440x256xf32, #tpu.memory_space<hbm>> -> memref<48x256xf32, #tpu.memory_space<hbm>>
    %dma_wait3A_17 = arith.constant 0 : i32
    %dma_wait3A_18 = tpu.memref_slice %arg4[%add3A_15, %dma_wait3A_17] : memref<61440x256xf32, #tpu.memory_space<hbm>> -> memref<48x256xf32, #tpu.memory_space<hbm>>
    tpu.wait_dma2 semaphore(%arg9 : memref<!tpu.dma_semaphore, #tpu.memory_space<semaphore_mem>>) src(%arg7 : memref<48x256xf32, #tpu.memory_space<vmem>>) dst(%dma_wait3A_18 : memref<48x256xf32, #tpu.memory_space<hbm>>)
    %add3A_19 = arith.constant 4 : i32
    %add3A_20 = arith.addi %mul3A_2, %add3A_19 : i32
    %mul3A_21 = arith.constant 384 : i32
    %mul3A_22 = arith.muli %add3A_20, %mul3A_21 : i32
    %add3A_23 = arith.constant 336 : i32
    %add3A_24 = arith.addi %mul3A_22, %add3A_23 : i32
    %dma_wait3A_25 = arith.constant 0 : i32
    %dma_wait3A_26 = tpu.memref_slice %arg4[%add3A_24, %dma_wait3A_25] : memref<61440x256xf32, #tpu.memory_space<hbm>> -> memref<48x256xf32, #tpu.memory_space<hbm>>
    %dma_wait3A_27 = arith.constant 0 : i32
    %dma_wait3A_28 = tpu.memref_slice %arg4[%add3A_24, %dma_wait3A_27] : memref<61440x256xf32, #tpu.memory_space<hbm>> -> memref<48x256xf32, #tpu.memory_space<hbm>>
    tpu.wait_dma2 semaphore(%arg10 : memref<!tpu.dma_semaphore, #tpu.memory_space<semaphore_mem>>) src(%arg8 : memref<48x256xf32, #tpu.memory_space<vmem>>) dst(%dma_wait3A_28 : memref<48x256xf32, #tpu.memory_space<hbm>>)
    return
  }
}

module attributes {stable_mosaic.version = 14 : i64} {
  func.func @_tc_body(%arg0: i32, %arg1: memref<8x256xf32, #tpu.memory_space<vmem>>, %arg2: memref<384x256xf32, #tpu.memory_space<vmem>>, %arg3: memref<8x384x256xf32, #tpu.memory_space<vmem>>) attributes {dimension_semantics = [#tpu.dimension_semantics<arbitrary>], iteration_bounds = array<i64: 28>, scalar_prefetch = 0 : i64, scratch_operands = 0 : i64, tpu.core_type = #tpu.core_type<tc>, window_params = [{transform_indices = @transform_0, window_bounds = array<i64: 8, 256>}, {pipeline_mode = #tpu.pipeline_mode<synchronous>, transform_indices = @transform_1, window_bounds = array<i64: 384, 256>}, {transform_indices = @transform_2, window_bounds = array<i64: 8, 384, 256>}]} {
    %get3A = arith.constant 0 : index
    %get3A_0 = arith.constant 0 : index
    %get3A_1 = vector.load %arg1[%get3A, %get3A_0] : memref<8x256xf32, #tpu.memory_space<vmem>>, vector<8x256xf32>
    %broadcast_in_dim3A = vector.shape_cast %get3A_1 : vector<8x256xf32> to vector<8x1x256xf32>
    %get3A_2 = arith.constant 0 : index
    %get3A_3 = arith.constant 0 : index
    %get3A_4 = vector.load %arg2[%get3A_2, %get3A_3] : memref<384x256xf32, #tpu.memory_space<vmem>>, vector<384x256xf32>
    %broadcast_in_dim3A_5 = vector.shape_cast %get3A_4 : vector<384x256xf32> to vector<1x384x256xf32>
    %add3A = vector.broadcast %broadcast_in_dim3A : vector<8x1x256xf32> to vector<8x384x256xf32>
    %add3A_6 = vector.broadcast %broadcast_in_dim3A_5 : vector<1x384x256xf32> to vector<8x384x256xf32>
    %add3A_7 = arith.addf %add3A, %add3A_6 : vector<8x384x256xf32>
    %swap3A = arith.constant 0 : index
    %swap3A_8 = arith.constant 0 : index
    %swap3A_9 = arith.constant 0 : index
    %swap3A_10 = vector.load %arg3[%swap3A, %swap3A_8, %swap3A_9] : memref<8x384x256xf32, #tpu.memory_space<vmem>>, vector<8x384x256xf32>
    tpu.vector_store %arg3[%swap3A, %swap3A_8, %swap3A_9], %add3A_7 {strides = array<i32>} : memref<8x384x256xf32, #tpu.memory_space<vmem>>, vector<8x384x256xf32>,
    return
  }
  func.func @transform_0(%arg0: i32) -> (i32, i32) {
    %c0_i32 = arith.constant 0 : i32
    %c0_i32_0 = arith.constant 0 : i32
    return %arg0, %c0_i32 : i32, i32
  }
  func.func @transform_1(%arg0: i32) -> (i32, i32) {
    %c0_i32 = arith.constant 0 : i32
    %c0_i32_0 = arith.constant 0 : i32
    %c0_i32_1 = arith.constant 0 : i32
    return %c0_i32, %c0_i32_0 : i32, i32
  }
  func.func @transform_2(%arg0: i32) -> (i32, i32, i32) {
    %c0_i32 = arith.constant 0 : i32
    %c0_i32_0 = arith.constant 0 : i32
    %c0_i32_1 = arith.constant 0 : i32
    return %arg0, %c0_i32, %c0_i32_0 : i32, i32, i32
  }
}

</mosaic_0001>

<sc_bundles>
// kernel: kernel.4.cloned.1.call-start
scs
__scs_entry_jumppad:
0x0: {  	(pc) =	sbr.rel $0x88, $3  }
0x1: {  	(tag) =	ssettag $0x0;
	lr =	simm.s32 $0x1  }
0x2: {  	[smem:$0x3F9F] =	sst lr;
	_ =	strace $0xD0000000  }
0x3: {  	_ = 	snop  }
0x4: {  	_ = 	snop  }
0x5: {  	_ = 	snop  }
0x6: {  	_ = 	snop  }
0x7: {  	_ = 	snop  }
__scs_overlays_trampoline_lowered:
0x8: {  	[smem:$0x3FAE] =	sst s0  }
0x9: {  	[smem:$0x3FAF] =	sst s1  }
0xa: {  	[smem:$0x3FB0] =	sst s2  }
0xb: {  	[smem:$0x3FB1] =	sst s3  }
0xc: {  	[smem:$0x3FB2] =	sst s4  }
0xd: {  	[smem:$0x3FB3] =	sst s5  }
0xe: {  	[smem:$0x3FB4] =	sst s6  }
0xf: {  	[smem:$0x3FB5] =	sst s7  }
0x10: {  	[smem:$0x3FB6] =	sst s8  }
0x11: {  	[smem:$0x3FB7] =	sst s9;
	s0 =	simm.s32 @!p0 $0x0  }
0x12: {  	s1 =	sld [smem:$0x3F9D];
	s0 =	simm.s32 @p0 $0x1  }
0x13: {  	[smem:$0x3FB8] =	sst s0;
	s0 =	simm.s32 @!p1 $0x0  }
0x14: {  	s2 =	sld [smem:$0x3F9C];
	s0 =	simm.s32 @p1 $0x1  }
0x15: {  	[smem:$0x3FB9] =	sst s0;
	s0 =	simm.s32 @!p2 $0x0  }
0x16: {  	s3 =	sld [smem:$0x3FDB];
	s0 =	simm.s32 @p2 $0x1  }
0x17: {  	s4 =	simm.s32 $0x1BF5;
	[smem:$0x3FBB] =	sst s0  }
0x18: {  	s0 =	sld [smem:$0x3F9E];
	_ =	swait.ge [sflag:s4], $0x0  }
0x19: {  	s7 =	sld [smem:$0x3F9F]  }
0x1a: {  	s8 =	sadd.s32 $0xFFFFE003, lr  }
0x1b: {  	s9 =	sadd.s32 $0xFFFFFEF7, lr;
	s5 =	simm.s32 $0xFFFFFFFF;
	p2 =	slt.u32 s8, $0xFFFFF086  }
0x1c: {  	p1 =	slt.u32 s9, $0xF7A;
	s5 =	simm.s32 @!p2 $0x0  }
0x1d: {  	s5 =	simm.s32 @p1 $0x1;
	p0 =	seq.s32 s7, s2  }
0x1e: {  	s7 =	smul.u32 @!p0 $0xF7A, s2;
	p2 =	seq.s32 @!p0 s5, $0x0  }
0x1f: {  	s9 =	smul.u32 $0xF7A, s1;
	s8 =	simm.s32 @!p0 $0x1BF5;
	p2 =	por !p2, p0  }
0x20: {  	[sflag:s8] =	ssyncset.s32 @!p0 $0xFFFFF086;
	s6 =	sadd.s32 @!p0 s3, s7;
	s7 =	simm.s32 @!p0 $0x108  }
0x21: {  	s3 =	sadd.s32 s3, s9;
	s6 =	sadd.s32 @!p0 $0x88, s6;
	s7 =	simm.s32 @p2 $0x1082  }
0x22: {  	[simem:s7], [sflag:s8] =	dma.local @!p0 [hbm:s6], $0xF7A  }
0x23: {  	s9 =	sor.u32 $0xD0000000, s2;
	s6 =	simm.s32 $0x108;
	_ =	swait.ge @!p0 [sflag:s8], $0x0  }
0x24: {  	s3 =	sadd.s32 $0x88, s3;
	s6 =	simm.s32 @!p1 $0x1082;
	[sflag:s4] =	ssyncset.s32 $0xFFFFF086  }
0x25: {  	[simem:s6], [sflag:s4] =	dma.local [hbm:s3], $0xF7A  }
0x26: {  	[smem:$0x3F9F] =	sst s1;
	(tag) =	ssettag s2;
	_ =	strace s9  }
0x27: {  	s1 =	sld [smem:$0x3FAF]  }
0x28: {  	s2 =	sld [smem:$0x3FB0]  }
0x29: {  	s4 =	sld [smem:$0x3FB2]  }
0x2a: {  	p0 =	seq.s32 s5, $0x0;
	s5 =	sld [smem:$0x3FB3]  }
0x2b: {  	s6 =	sld [smem:$0x3FB4]  }
0x2c: {  	s7 =	sld [smem:$0x3FB5]  }
0x2d: {  	s3 =	simm.s32 $0x108;
	s8 =	sld [smem:$0x3FB6]  }
0x2e: {  	s3 =	simm.s32 @!p0 $0x1082;
	s9 =	sld [smem:$0x3FB7]  }
0x2f: {  	lr =	sadd.s32 s0, s3;
	s0 =	sld [smem:$0x3FAE]  }
0x30: {  	s3 =	sld [smem:$0x3FB1]  }
0x31: {  	[smem:$0x3FBA] =	sst s10  }
0x32: {  	s10 =	sld [smem:$0x3FB8];
	_ =	sdelay $0x3  }
0x33: {  	p0 =	seq.s32 s10, $0x1;
	s10 =	sld [smem:$0x3FBA];
	_ =	sdelay $0x3  }
0x34: {  	[smem:$0x3FBA] =	sst s10  }
0x35: {  	s10 =	sld [smem:$0x3FB9];
	_ =	sdelay $0x3  }
0x36: {  	p1 =	seq.s32 s10, $0x1;
	s10 =	sld [smem:$0x3FBA];
	_ =	sdelay $0x3  }
0x37: {  	[smem:$0x3FBA] =	sst s10  }
0x38: {  	s10 =	sld [smem:$0x3FBB]  }
0x39: {  	_ = 	snop;
	(pc) =	sbr.ind lr, $3  }
0x3a: {  	_ = 	snop  }
0x3b: {  	_ = 	snop  }
0x3c: {  	p2 =	seq.s32 s10, $0x1;
	s10 =	sld [smem:$0x3FBA]  }
0x3d: {  	_ =	shalt  }
0x3e: {  	_ =	shalt  }
0x3f: {  	_ =	shalt  }
0x40: {  	_ =	shalt  }
0x41: {  	_ =	shalt  }
0x42: {  	_ =	shalt  }
0x43: {  	_ =	shalt  }
0x44: {  	_ =	shalt  }
0x45: {  	_ =	shalt  }
0x46: {  	_ =	shalt  }
0x47: {  	_ =	shalt  }
0x48: {  	_ =	shalt  }
0x49: {  	_ =	shalt  }
0x4a: {  	_ =	shalt  }
0x4b: {  	_ =	shalt  }
0x4c: {  	_ =	shalt  }
0x4d: {  	_ =	shalt  }
0x4e: {  	_ =	shalt  }
0x4f: {  	_ =	shalt  }
0x50: {  	_ =	shalt  }
0x51: {  	_ =	shalt  }
0x52: {  	_ =	shalt  }
0x53: {  	_ =	shalt  }
0x54: {  	_ =	shalt  }
0x55: {  	_ =	shalt  }
0x56: {  	_ =	shalt  }
0x57: {  	_ =	shalt  }
0x58: {  	_ =	shalt  }
0x59: {  	_ =	shalt  }
0x5a: {  	_ =	shalt  }
0x5b: {  	_ =	shalt  }
0x5c: {  	_ =	shalt  }
0x5d: {  	_ =	shalt  }
0x5e: {  	_ =	shalt  }
0x5f: {  	_ =	shalt  }
0x60: {  	_ =	shalt  }
0x61: {  	_ =	shalt  }
0x62: {  	_ =	shalt  }
0x63: {  	_ =	shalt  }
0x64: {  	_ =	shalt  }
0x65: {  	_ =	shalt  }
0x66: {  	_ =	shalt  }
0x67: {  	_ =	shalt  }
0x68: {  	_ =	shalt  }
0x69: {  	_ =	shalt  }
0x6a: {  	_ =	shalt  }
0x6b: {  	_ =	shalt  }
0x6c: {  	_ =	shalt  }
0x6d: {  	_ =	shalt  }
0x6e: {  	_ =	shalt  }
0x6f: {  	_ =	shalt  }
0x70: {  	_ =	shalt  }
0x71: {  	_ =	shalt  }
0x72: {  	_ =	shalt  }
0x73: {  	_ =	shalt  }
0x74: {  	_ =	shalt  }
0x75: {  	_ =	shalt  }
0x76: {  	_ =	shalt  }
0x77: {  	_ =	shalt  }
0x78: {  	_ =	shalt  }
0x79: {  	_ =	shalt  }
0x7a: {  	_ =	shalt  }
0x7b: {  	_ =	shalt  }
0x7c: {  	_ =	shalt  }
0x7d: {  	_ =	shalt  }
0x7e: {  	_ =	shalt  }
0x7f: {  	_ =	shalt  }
0x80: {  	_ =	shalt  }
0x81: {  	_ =	shalt  }
0x82: {  	_ =	shalt  }
0x83: {  	_ =	shalt  }
0x84: {  	_ =	shalt  }
0x85: {  	_ =	shalt  }
0x86: {  	_ =	shalt  }
0x87: {  	_ =	shalt  }
.Lfunc_end0:
.L_simem_size_0:
called_computation_lowered:
.L_overlay_start_0:
0x88: {  	s2 =	sld [smem:$0x3FD9]  }
0x89: {  	s3 =	sld [smem:$0x3FFE];
	_ =	sdelay $0x1  }
0x8a: {  	s1 =	srdreg.scid  }
0x8b: {  	s0 =	sand.u32 $0x1, s1  }
0x8c: {  	s17 =	sshll.u32 s0, $0xA;
	s2 =	sadd.s32 s3, s2  }
0x8d: {  	s2 =	sadd.s32 s2, s17  }
0x8e: {  	[smem:$0x3FC6] =	sst s2  }
0x8f: {  	_ = 	snop  }
0x90: {  	s2 =	sld [smem:$0x3FD0];
	(tm) =	ssettm $0x1  }
0x91: {  	s18 =	sld [smem:$0x3FFB];
	_ =	sdelay $0x3  }
0x92: {  	_ =	strace s18  }
0x93: {  	s3 =	sld [smem:$0x3FFC];
	_ =	sdelay $0x3  }
0x94: {  	_ =	strace s3  }
0x95: {  	s3 =	sld [smem:$0x3FFD];
	_ =	sdelay $0x3  }
0x96: {  	_ =	strace s3  }
0x97: {  	_ =	strace $0x8FFFFFFF  }
0x98: {  	s19 =	sld [smem:$0x3FDB];
	_ =	sdelay $0x1  }
0x99: {  	s4 =	simm.s32 $_scs_section_size  }
0x9a: {  	s5 =	simm.s32 $_size__tile_overlayer_lowered;
	s6 =	simm.s32 $_tile_overlayer_lowered  }
0x9b: {  	s22 =	simm.s32 $0x1BFF;
	s21 =	sshll.u32 s6, $0x1;
	s3 =	sadd.s32 s4, s19  }
0x9c: {  	s7 =	simm.s32 $0x0;
	s20 =	sshll.u32 s5, $0x1;
	s5 =	sadd.s32 s21, s3  }
0x9d: {  	[timem:s7], [sflag:s22] =	dma.local [hbm:s5], s20  }
0x9e: {  	_ =	swait.ge [sflag:s22], s20  }
0x9f: {  	s4 =	ssub.s32 $0x0, s20;
	[sflag:s22] =	ssyncset.done $0x0  }
0xa0: {  	[sflag:s22] =	ssyncadd.s32 s4;
	_ =	sdelay $0x1  }
0xa1: {  	s23 =	simm.s32 $0x1B8B  }
0xa2: {  	_ =	swait.ge [sflag:s23], $0x1  }
0xa3: {  	[sflag:s23] =	ssyncset.done $0x0  }
0xa4: {  	s25 =	simm.s32 $0x1B8E;
	s24 =	sld [smem:$0x3FFE];
	[sflag:s23] =	ssyncadd.s32 $0xFFFFFFFF  }
0xa5: {  	s26 =	simm.s32 $execute0_lowered;
	[smem:$0x3FD2] =	sst s25  }
0xa6: {  	s5 =	sshll.u32 s26, $0x1;
	_ =	strace $0x80000046;
	[dreg:$0x1] =	wrdreg $0xFFFFFFFF  }
0xa7: {  	s28 =	simm.s32 $_size_execute0_lowered;
	s3 =	sadd.s32 s3, s5;
	[dreg:$0x0] =	wrdreg $0x0  }
0xa8: {  	s5 =	sshll.u32 s28, $0x1;
	[dreg:$0x2] =	wrdreg s3  }
0xa9: {  	[dreg:$0x3] =	wrdreg s5  }
0xaa: {  	[dreg:$0x4] =	wrdreg $0xC0  }
0xab: {  	_ =	task [dreg:s7], $0x5FFFF  }
0xac: {  	[dreg:$0x1] =	wrdreg $0xFFFFFFFF  }
0xad: {  	[dreg:$0x0] =	wrdreg $0x60  }
0xae: {  	[dreg:$0x2] =	wrdreg s24  }
0xaf: {  	[dreg:$0x3] =	wrdreg s2  }
0xb0: {  	[dreg:$0x4] =	wrdreg $0x9  }
0xb1: {  	_ =	task.clear_ibuf [dreg:s7], $0x5FFFF;
	_ =	strace $0x90000046  }
0xb2: {  	s29 =	simm.s32 $0x9;
	_ =	strace $0x80000048  }
0xb3: {  	_ =	swait.ge [sflag:s29], $0x1  }
0xb4: {  	[sflag:s29] =	ssyncadd.s32 $0xFFFFFFFF  }
0xb5: {  	_ =	strace $0x90000048  }
0xb6: {  	_ =	sfence  }
0xb7: {  	s30 =	sld [smem:$0x0];
	_ =	sdelay $0x2  }
0xb8: {  	s31 =	sshll.u32 s1, $0xD;
	s1 =	sshrl.u32 s1, $0x2  }
0xb9: {  	s3 =	sand.u32 $0x4000, s31;
	s1 =	sadd.s32 s1, s30  }
0xba: {  	s0 =	sor.u32 s3, s0;
	s1 =	sshll.u32 s1, $0x11  }
0xbb: {  	s0 =	sor.u32 s1, s0  }
0xbc: {  	s0 =	sadd.s32 $0x8F2B, s0  }
0xbd: {  	[sflag:s0] =	ssyncadd.remote.s32 $0x1  }
0xbe: {  	_ =	sfence.sel $0xFFFF  }
0xbf: {  	[dreg:$0x0] =	wrdreg $0xFFFFFFFF;
	(pc) =	sbr.abs _section_cstart, $3  }
0xc0: {  	[dreg:$0x1] =	wrdreg $0xFFFFFFFF  }
0xc1: {  	_ =	task.clear_ibuf [dreg:s7], $0x2FFFF;
	_ =	strace $0x9FFFFFFF  }
0xc2: {  	(tm) =	ssettm $0x7FFFFFFF  }
0xc3: {  	_ =	shalt  }
tec
execute0_lowered:
.L_overlay_start_1:
0x0: {  	(tag) =	ssettag $0x1  }
0x1: {  	s1 =	srdreg.scid  }
0x2: {  	s0 =	stileid.u32;
	s4 =	rddreg [dreg:$0x0]  }
0x3: {  	s2 =	rddreg [dreg:$0x1];
	s3 =	simm.s32 $0x0;
	s9 =	simm.s32 $0x18000  }
0x4: {  	s10 =	simm.s32 $0x18500;
	s11 =	simm.s32 $0x1B500;
	s12 =	simm.s32 $0x1  }
0x5: {  	s13 =	simm.s32 $0x2;
	s5 =	sand.u32 $0x1, s1;
	s31 =	sshll.u32 s0, $0x1  }
0x6: {  	s14 =	simm.s32 $0x0;
	s6 =	sor.u32 s5, s31;
	s5 =	ssub.s32 $0x2, s5  }
0x7: {  	[smem:$0x7FF] =	sst s3;
	s7 =	smul.u32 $0xA0, s6;
	s8 =	sshrl.u32 s5, $0x1  }
0x8: {  	s1 =	rddreg [dreg:$0x2];
	_ =	strace $0x80000047;
	s8 =	ssub.s32 s5, s8  }
0x9: {  	s5 =	smul.u32 $0x5, s6;
	s7 =	sadd.s32 s7, s4;
	s4 =	sadd.s32 $0x1A00, s4  }
0xa: {  	s6 =	sadd.s32 $0x600, s7;
	s7 =	smax.u32 s8, $0x1;
	s8 =	simm.s32 $0x3  }
.LBB2_1:
0xb: {  	[tilespmem:s3], [sflag:$0x3] =	stream.linear.gather [hbm4b:s2+s3], $0x18000, $0x38;
	[tilespmem:$0x1E500] =	vst v63  }
0xc: {  	_ =	swait.ge [sflag:s8], $0x18000  }
0xd: {  	[sflag:s8] =	ssyncset.done $0x0  }
0xe: {  	[sflag:s8] =	ssyncadd.s32 $0xFFFE8000  }
0xf: {  	[tilespmem:s9], [sflag:$0x3] =	stream.linear.gather [hbm4b:s6+s3], $0x500, $0x38;
	[tilespmem:$0x1E500] =	vst v63  }
0x10: {  	_ =	swait.ge [sflag:s8], $0x500  }
0x11: {  	[sflag:s8] =	ssyncset.done $0x0  }
0x12: {  	s15 =	simm.s32 $0x0;
	[sflag:s8] =	ssyncadd.s32 $0xFFFFFB00  }
.LBB2_2:
0x13: {  	p0 =	seq.s32 s15, $0x0  }
0x14: {  	s16 =	simm.s32 @!p0 $0x1  }
0x15: {  	_ =	swait.ge @!p0 [sflag:s16], $0x3000  }
0x16: {  	s17 =	sshll.u32 s15, $0x6;
	[sflag:s16] =	ssyncset.done @!p0 $0x0  }
0x17: {  	[sflag:s16] =	ssyncadd.s32 @!p0 $0xFFFFD000;
	s16 =	sand.u32 $0x3FFFFF00, s17  }
0x18: {  	v2 =	vld [tilespmem:s16+$0x18000]  }
0x19: {  	v3 =	vld [tilespmem:s16+$0x18010]  }
0x1a: {  	v4 =	vld [tilespmem:s16+$0x18020]  }
0x1b: {  	v5 =	vld [tilespmem:s16+$0x18030]  }
0x1c: {  	v6 =	vld [tilespmem:s16+$0x18040]  }
0x1d: {  	v7 =	vld [tilespmem:s16+$0x18050]  }
0x1e: {  	v8 =	vld [tilespmem:s16+$0x18060]  }
0x1f: {  	s25 =	sshll.u32 s15, $0x1;
	v10 =	vld [tilespmem:s16+$0x18070]  }
0x20: {  	s17 =	sand.u32 $0x6, s25;
	v11 =	vld [tilespmem:s16+$0x18080]  }
0x21: {  	v13 =	vld [tilespmem:s16+$0x18090];
	s17 =	smul.u32 $0x30, s17  }
0x22: {  	v15 =	vld [tilespmem:s16+$0x180A0]  }
0x23: {  	v14 =	vld [tilespmem:s16+$0x180B0];
	s18 =	sadd.s32 $0x0, s17  }
0x24: {  	v12 =	vld [tilespmem:s16+$0x180C0];
	s20 =	sor.u32 $0x4, s17;
	s24 =	sshll.u32 s18, $0x8  }
0x25: {  	v9 =	vld [tilespmem:s16+$0x180D0];
	s26 =	sadd.s32 $0x0, s20;
	s19 =	sand.u32 $0x3FFFFF00, s24  }
0x26: {  	s22 =	sand.u32 $0x3F800, s24;
	s21 =	sshll.u32 s26, $0x8;
	v16 =	vld [tilespmem:s19+$0x180]  }
0x27: {  	v17 =	vld [tilespmem:s22+$0x380];
	s23 =	sand.u32 $0x3F800, s21  }
0x28: {  	v18 =	vld [tilespmem:s23+$0x200]  }
0x29: {  	v19 =	vld [tilespmem:s19+$0x100]  }
0x2a: {  	v20 =	vld [tilespmem:s19+$0x80]  }
0x2b: {  	s28 =	simm.s32 $0x0;
	v1 =	vld [tilespmem:s16+$0x180E0];
	v16 =	vadd.f32 v16, v2  }
0x2c: {  	s18 =	sand.u32 $0x3FFFFF00, s28;
	v21 =	vld [tilespmem:s19+$0x0];
	v17 =	vadd.f32 v17, v2  }
0x2d: {  	v0 =	vld [tilespmem:s16+$0x180F0];
	v18 =	vadd.f32 v18, v2;
	[tilespmem:s18+$0x18680] =	vst v16  }
0x2e: {  	v16 =	vadd.f32 v19, v2;
	[tilespmem:s18+$0x18880] =	vst v17;
	v17 =	vld [tilespmem:s19+$0x190]  }
0x2f: {  	v19 =	vadd.f32 v20, v2;
	v20 =	vld [tilespmem:s22+$0x390];
	[tilespmem:s18+$0x18700] =	vst v18  }
0x30: {  	v18 =	vld [tilespmem:s23+$0x210];
	[tilespmem:s18+$0x18600] =	vst v16  }
0x31: {  	v16 =	vadd.f32 v21, v2;
	[tilespmem:s18+$0x18580] =	vst v19;
	v19 =	vld [tilespmem:s19+$0x110]  }
0x32: {  	v21 =	vld [tilespmem:s19+$0x90]  }
0x33: {  	[tilespmem:s18+$0x18500] =	vst v16;
	v16 =	vadd.f32 v17, v3  }
0x34: {  	v17 =	vld [tilespmem:s19+$0x10];
	v20 =	vadd.f32 v20, v3  }
0x35: {  	v18 =	vadd.f32 v18, v3;
	[tilespmem:s18+$0x18690] =	vst v16  }
0x36: {  	[tilespmem:s18+$0x18890] =	vst v20;
	v19 =	vadd.f32 v19, v3;
	v16 =	vld [tilespmem:s19+$0x1A0]  }
0x37: {  	v21 =	vadd.f32 v21, v3;
	v20 =	vld [tilespmem:s22+$0x3A0];
	[tilespmem:s18+$0x18710] =	vst v18  }
0x38: {  	v18 =	vld [tilespmem:s23+$0x220];
	[tilespmem:s18+$0x18610] =	vst v19  }
0x39: {  	[tilespmem:s18+$0x18590] =	vst v21;
	v17 =	vadd.f32 v17, v3;
	v19 =	vld [tilespmem:s19+$0x120]  }
0x3a: {  	v21 =	vld [tilespmem:s19+$0xA0]  }
0x3b: {  	v22 =	vld [tilespmem:s22+$0x300];
	[tilespmem:s18+$0x18510] =	vst v17;
	v16 =	vadd.f32 v16, v4  }
0x3c: {  	v17 =	vld [tilespmem:s19+$0x20];
	v20 =	vadd.f32 v20, v4  }
0x3d: {  	v18 =	vadd.f32 v18, v4;
	[tilespmem:s18+$0x186A0] =	vst v16  }
0x3e: {  	[tilespmem:s18+$0x188A0] =	vst v20;
	v19 =	vadd.f32 v19, v4;
	v16 =	vld [tilespmem:s19+$0x1B0]  }
0x3f: {  	v21 =	vadd.f32 v21, v4;
	v20 =	vld [tilespmem:s22+$0x3B0];
	[tilespmem:s18+$0x18720] =	vst v18  }
0x40: {  	v18 =	vadd.f32 v22, v2;
	v22 =	vld [tilespmem:s23+$0x230];
	[tilespmem:s18+$0x18620] =	vst v19  }
0x41: {  	[tilespmem:s18+$0x185A0] =	vst v21;
	v17 =	vadd.f32 v17, v4;
	v19 =	vld [tilespmem:s19+$0x130]  }
0x42: {  	[tilespmem:s18+$0x18800] =	vst v18;
	v18 =	vld [tilespmem:s19+$0xB0]  }
0x43: {  	v21 =	vld [tilespmem:s22+$0x310];
	[tilespmem:s18+$0x18520] =	vst v17;
	v16 =	vadd.f32 v16, v5  }
0x44: {  	v17 =	vld [tilespmem:s19+$0x30];
	v20 =	vadd.f32 v20, v5  }
0x45: {  	v23 =	vld [tilespmem:s19+$0x280];
	v22 =	vadd.f32 v22, v5;
	[tilespmem:s18+$0x186B0] =	vst v16  }
0x46: {  	[tilespmem:s18+$0x188B0] =	vst v20;
	v19 =	vadd.f32 v19, v5;
	v16 =	vld [tilespmem:s19+$0x1C0]  }
0x47: {  	v18 =	vadd.f32 v18, v5;
	v20 =	vld [tilespmem:s22+$0x3C0];
	[tilespmem:s18+$0x18730] =	vst v22  }
0x48: {  	v21 =	vadd.f32 v21, v3;
	v22 =	vld [tilespmem:s23+$0x240];
	[tilespmem:s18+$0x18630] =	vst v19  }
0x49: {  	[tilespmem:s18+$0x185B0] =	vst v18;
	v17 =	vadd.f32 v17, v5;
	v18 =	vld [tilespmem:s19+$0x140]  }
0x4a: {  	v19 =	vadd.f32 v23, v2;
	[tilespmem:s18+$0x18810] =	vst v21;
	v21 =	vld [tilespmem:s19+$0xC0]  }
0x4b: {  	v23 =	vld [tilespmem:s22+$0x320];
	[tilespmem:s18+$0x18530] =	vst v17;
	v16 =	vadd.f32 v16, v6  }
0x4c: {  	[tilespmem:s18+$0x18780] =	vst v19;
	v17 =	vld [tilespmem:s19+$0x40];
	v19 =	vadd.f32 v20, v6  }
0x4d: {  	v20 =	vld [tilespmem:s19+$0x290];
	v22 =	vadd.f32 v22, v6;
	[tilespmem:s18+$0x186C0] =	vst v16  }
0x4e: {  	[tilespmem:s18+$0x188C0] =	vst v19;
	v18 =	vadd.f32 v18, v6;
	v16 =	vld [tilespmem:s19+$0x1D0]  }
0x4f: {  	v21 =	vadd.f32 v21, v6;
	v19 =	vld [tilespmem:s22+$0x3D0];
	[tilespmem:s18+$0x18740] =	vst v22  }
0x50: {  	v22 =	vadd.f32 v23, v4;
	v23 =	vld [tilespmem:s23+$0x250];
	[tilespmem:s18+$0x18640] =	vst v18  }
0x51: {  	[tilespmem:s18+$0x185C0] =	vst v21;
	v17 =	vadd.f32 v17, v6;
	v18 =	vld [tilespmem:s19+$0x150]  }
0x52: {  	v20 =	vadd.f32 v20, v3;
	[tilespmem:s18+$0x18820] =	vst v22;
	v21 =	vld [tilespmem:s19+$0xD0]  }
0x53: {  	v22 =	vld [tilespmem:s22+$0x330];
	[tilespmem:s18+$0x18540] =	vst v17;
	v16 =	vadd.f32 v16, v7  }
0x54: {  	[tilespmem:s18+$0x18790] =	vst v20;
	v17 =	vld [tilespmem:s19+$0x50];
	v19 =	vadd.f32 v19, v7  }
0x55: {  	v20 =	vld [tilespmem:s19+$0x2A0];
	v23 =	vadd.f32 v23, v7;
	[tilespmem:s18+$0x186D0] =	vst v16  }
0x56: {  	[tilespmem:s18+$0x188D0] =	vst v19;
	v18 =	vadd.f32 v18, v7;
	v16 =	vld [tilespmem:s19+$0x1E0]  }
0x57: {  	v21 =	vadd.f32 v21, v7;
	v19 =	vld [tilespmem:s22+$0x3E0];
	[tilespmem:s18+$0x18750] =	vst v23  }
0x58: {  	v22 =	vadd.f32 v22, v5;
	v23 =	vld [tilespmem:s23+$0x260];
	[tilespmem:s18+$0x18650] =	vst v18  }
0x59: {  	[tilespmem:s18+$0x185D0] =	vst v21;
	v17 =	vadd.f32 v17, v7;
	v18 =	vld [tilespmem:s19+$0x160]  }
0x5a: {  	v20 =	vadd.f32 v20, v4;
	[tilespmem:s18+$0x18830] =	vst v22;
	v21 =	vld [tilespmem:s19+$0xE0]  }
0x5b: {  	v22 =	vld [tilespmem:s22+$0x340];
	[tilespmem:s18+$0x18550] =	vst v17;
	v16 =	vadd.f32 v16, v8  }
0x5c: {  	[tilespmem:s18+$0x187A0] =	vst v20;
	v17 =	vld [tilespmem:s19+$0x60];
	v19 =	vadd.f32 v19, v8  }
0x5d: {  	v20 =	vld [tilespmem:s19+$0x2B0];
	v23 =	vadd.f32 v23, v8;
	[tilespmem:s18+$0x186E0] =	vst v16  }
0x5e: {  	[tilespmem:s18+$0x188E0] =	vst v19;
	v18 =	vadd.f32 v18, v8;
	v16 =	vld [tilespmem:s19+$0x1F0]  }
0x5f: {  	v21 =	vadd.f32 v21, v8;
	v19 =	vld [tilespmem:s22+$0x3F0];
	[tilespmem:s18+$0x18760] =	vst v23  }
0x60: {  	v22 =	vadd.f32 v22, v6;
	v23 =	vld [tilespmem:s23+$0x270];
	[tilespmem:s18+$0x18660] =	vst v18  }
0x61: {  	[tilespmem:s18+$0x185E0] =	vst v21;
	v17 =	vadd.f32 v17, v8;
	v18 =	vld [tilespmem:s19+$0x170]  }
0x62: {  	v20 =	vadd.f32 v20, v5;
	[tilespmem:s18+$0x18840] =	vst v22;
	v21 =	vld [tilespmem:s19+$0xF0]  }
0x63: {  	v22 =	vld [tilespmem:s22+$0x350];
	[tilespmem:s18+$0x18560] =	vst v17;
	v16 =	vadd.f32 v16, v10  }
0x64: {  	[tilespmem:s18+$0x187B0] =	vst v20;
	v17 =	vld [tilespmem:s19+$0x70];
	v19 =	vadd.f32 v19, v10  }
0x65: {  	v20 =	vld [tilespmem:s19+$0x2C0];
	[tilespmem:s18+$0x186F0] =	vst v16;
	v16 =	vadd.f32 v23, v10  }
0x66: {  	[tilespmem:s18+$0x188F0] =	vst v19;
	v18 =	vadd.f32 v18, v10;
	v23 =	vld [tilespmem:s19+$0x580]  }
0x67: {  	v19 =	vadd.f32 v21, v10;
	[tilespmem:s18+$0x18770] =	vst v16;
	v16 =	vld [tilespmem:s24+$0x780]  }
0x68: {  	v21 =	vadd.f32 v22, v7;
	[tilespmem:s18+$0x18670] =	vst v18;
	v22 =	vld [tilespmem:s21+$0x200]  }
0x69: {  	[tilespmem:s18+$0x185F0] =	vst v19;
	v17 =	vadd.f32 v17, v10;
	v18 =	vld [tilespmem:s19+$0x500]  }
0x6a: {  	v19 =	vadd.f32 v20, v6;
	[tilespmem:s18+$0x18850] =	vst v21;
	v20 =	vld [tilespmem:s19+$0x480]  }
0x6b: {  	v21 =	vld [tilespmem:s22+$0x360];
	[tilespmem:s18+$0x18570] =	vst v17;
	v17 =	vadd.f32 v23, v11  }
0x6c: {  	[tilespmem:s18+$0x187C0] =	vst v19;
	v19 =	vld [tilespmem:s19+$0x400];
	v16 =	vadd.f32 v16, v11  }
0x6d: {  	v23 =	vld [tilespmem:s19+$0x2D0];
	[tilespmem:s18+$0x18A80] =	vst v17;
	v17 =	vadd.f32 v22, v11  }
0x6e: {  	v22 =	vld [tilespmem:s19+$0x590];
	[tilespmem:s18+$0x18C80] =	vst v16;
	v16 =	vadd.f32 v18, v11  }
0x6f: {  	v18 =	vadd.f32 v20, v11;
	[tilespmem:s18+$0x18B00] =	vst v17;
	v17 =	vld [tilespmem:s24+$0x790]  }
0x70: {  	v20 =	vadd.f32 v21, v8;
	v21 =	vld [tilespmem:s21+$0x210];
	[tilespmem:s18+$0x18A00] =	vst v16  }
0x71: {  	v16 =	vadd.f32 v19, v11;
	[tilespmem:s18+$0x18980] =	vst v18;
	v18 =	vld [tilespmem:s19+$0x510]  }
0x72: {  	v19 =	vadd.f32 v23, v7;
	[tilespmem:s18+$0x18860] =	vst v20;
	v20 =	vld [tilespmem:s19+$0x490]  }
0x73: {  	v23 =	vld [tilespmem:s22+$0x370];
	[tilespmem:s18+$0x18900] =	vst v16;
	v16 =	vadd.f32 v22, v13  }
0x74: {  	[tilespmem:s18+$0x187D0] =	vst v19;
	v19 =	vld [tilespmem:s19+$0x410];
	v17 =	vadd.f32 v17, v13  }
0x75: {  	v22 =	vld [tilespmem:s19+$0x2E0];
	[tilespmem:s18+$0x18A90] =	vst v16;
	v16 =	vadd.f32 v21, v13  }
0x76: {  	v21 =	vld [tilespmem:s19+$0x5A0];
	[tilespmem:s18+$0x18C90] =	vst v17;
	v17 =	vadd.f32 v18, v13  }
0x77: {  	v18 =	vadd.f32 v20, v13;
	[tilespmem:s18+$0x18B10] =	vst v16;
	v16 =	vld [tilespmem:s24+$0x7A0]  }
0x78: {  	v20 =	vadd.f32 v23, v10;
	v23 =	vld [tilespmem:s21+$0x220];
	[tilespmem:s18+$0x18A10] =	vst v17  }
0x79: {  	v17 =	vadd.f32 v19, v13;
	[tilespmem:s18+$0x18990] =	vst v18;
	v18 =	vld [tilespmem:s19+$0x520]  }
0x7a: {  	v19 =	vadd.f32 v22, v8;
	[tilespmem:s18+$0x18870] =	vst v20;
	v20 =	vld [tilespmem:s19+$0x4A0]  }
0x7b: {  	v22 =	vld [tilespmem:s24+$0x700];
	[tilespmem:s18+$0x18910] =	vst v17;
	v17 =	vadd.f32 v21, v15  }
0x7c: {  	[tilespmem:s18+$0x187E0] =	vst v19;
	v19 =	vld [tilespmem:s19+$0x420];
	v16 =	vadd.f32 v16, v15  }
0x7d: {  	v21 =	vld [tilespmem:s19+$0x2F0];
	[tilespmem:s18+$0x18AA0] =	vst v17;
	v17 =	vadd.f32 v23, v15  }
0x7e: {  	v23 =	vld [tilespmem:s19+$0x5B0];
	[tilespmem:s18+$0x18CA0] =	vst v16;
	v16 =	vadd.f32 v18, v15  }
0x7f: {  	v18 =	vadd.f32 v20, v15;
	[tilespmem:s18+$0x18B20] =	vst v17;
	v17 =	vld [tilespmem:s24+$0x7B0]  }
0x80: {  	v20 =	vadd.f32 v22, v11;
	v22 =	vld [tilespmem:s21+$0x230];
	[tilespmem:s18+$0x18A20] =	vst v16  }
0x81: {  	v16 =	vadd.f32 v19, v15;
	[tilespmem:s18+$0x189A0] =	vst v18;
	v18 =	vld [tilespmem:s19+$0x530]  }
0x82: {  	v19 =	vadd.f32 v21, v10;
	[tilespmem:s18+$0x18C00] =	vst v20;
	v20 =	vld [tilespmem:s19+$0x4B0]  }
0x83: {  	v21 =	vld [tilespmem:s24+$0x710];
	[tilespmem:s18+$0x18920] =	vst v16;
	v16 =	vadd.f32 v23, v14  }
0x84: {  	[tilespmem:s18+$0x187F0] =	vst v19;
	v19 =	vld [tilespmem:s19+$0x430];
	v17 =	vadd.f32 v17, v14  }
0x85: {  	v23 =	vld [tilespmem:s19+$0x680];
	[tilespmem:s18+$0x18AB0] =	vst v16;
	v16 =	vadd.f32 v22, v14  }
0x86: {  	v22 =	vld [tilespmem:s19+$0x5C0];
	[tilespmem:s18+$0x18CB0] =	vst v17;
	v17 =	vadd.f32 v18, v14  }
0x87: {  	v18 =	vadd.f32 v20, v14;
	[tilespmem:s18+$0x18B30] =	vst v16;
	v16 =	vld [tilespmem:s24+$0x7C0]  }
0x88: {  	v20 =	vadd.f32 v21, v13;
	v21 =	vld [tilespmem:s21+$0x240];
	[tilespmem:s18+$0x18A30] =	vst v17  }
0x89: {  	v17 =	vadd.f32 v19, v14;
	[tilespmem:s18+$0x189B0] =	vst v18;
	v18 =	vld [tilespmem:s19+$0x540]  }
0x8a: {  	v19 =	vadd.f32 v23, v11;
	[tilespmem:s18+$0x18C10] =	vst v20;
	v20 =	vld [tilespmem:s19+$0x4C0]  }
0x8b: {  	v23 =	vld [tilespmem:s24+$0x720];
	[tilespmem:s18+$0x18930] =	vst v17;
	v17 =	vadd.f32 v22, v12  }
0x8c: {  	[tilespmem:s18+$0x18B80] =	vst v19;
	v19 =	vld [tilespmem:s19+$0x440];
	v16 =	vadd.f32 v16, v12  }
0x8d: {  	v22 =	vld [tilespmem:s19+$0x690];
	[tilespmem:s18+$0x18AC0] =	vst v17;
	v17 =	vadd.f32 v21, v12  }
0x8e: {  	v21 =	vld [tilespmem:s19+$0x5D0];
	[tilespmem:s18+$0x18CC0] =	vst v16;
	v16 =	vadd.f32 v18, v12  }
0x8f: {  	v18 =	vadd.f32 v20, v12;
	[tilespmem:s18+$0x18B40] =	vst v17;
	v17 =	vld [tilespmem:s24+$0x7D0]  }
0x90: {  	v20 =	vadd.f32 v23, v15;
	v23 =	vld [tilespmem:s21+$0x250];
	[tilespmem:s18+$0x18A40] =	vst v16  }
0x91: {  	v16 =	vadd.f32 v19, v12;
	[tilespmem:s18+$0x189C0] =	vst v18;
	v18 =	vld [tilespmem:s19+$0x550]  }
0x92: {  	v19 =	vadd.f32 v22, v13;
	[tilespmem:s18+$0x18C20] =	vst v20;
	v20 =	vld [tilespmem:s19+$0x4D0]  }
0x93: {  	v22 =	vld [tilespmem:s24+$0x730];
	[tilespmem:s18+$0x18940] =	vst v16;
	v16 =	vadd.f32 v21, v9  }
0x94: {  	[tilespmem:s18+$0x18B90] =	vst v19;
	v19 =	vld [tilespmem:s19+$0x450];
	v17 =	vadd.f32 v17, v9  }
0x95: {  	v21 =	vld [tilespmem:s19+$0x6A0];
	[tilespmem:s18+$0x18AD0] =	vst v16;
	v16 =	vadd.f32 v23, v9  }
0x96: {  	v23 =	vld [tilespmem:s19+$0x5E0];
	[tilespmem:s18+$0x18CD0] =	vst v17;
	v17 =	vadd.f32 v18, v9  }
0x97: {  	v18 =	vadd.f32 v20, v9;
	[tilespmem:s18+$0x18B50] =	vst v16;
	v16 =	vld [tilespmem:s24+$0x7E0]  }
0x98: {  	v20 =	vadd.f32 v22, v14;
	v22 =	vld [tilespmem:s21+$0x260];
	[tilespmem:s18+$0x18A50] =	vst v17  }
0x99: {  	v17 =	vadd.f32 v19, v9;
	[tilespmem:s18+$0x189D0] =	vst v18;
	v18 =	vld [tilespmem:s19+$0x560]  }
0x9a: {  	v19 =	vadd.f32 v21, v15;
	[tilespmem:s18+$0x18C30] =	vst v20;
	v20 =	vld [tilespmem:s19+$0x4E0]  }
0x9b: {  	v21 =	vld [tilespmem:s24+$0x740];
	[tilespmem:s18+$0x18950] =	vst v17;
	v17 =	vadd.f32 v23, v1  }
0x9c: {  	[tilespmem:s18+$0x18BA0] =	vst v19;
	v19 =	vld [tilespmem:s19+$0x460];
	v16 =	vadd.f32 v16, v1  }
0x9d: {  	[tilespmem:s18+$0x18AE0] =	vst v17;
	v17 =	vadd.f32 v22, v1;
	v22 =	vld [tilespmem:s19+$0x6B0]  }
0x9e: {  	v23 =	vld [tilespmem:s19+$0x5F0];
	[tilespmem:s18+$0x18CE0] =	vst v16;
	v16 =	vadd.f32 v18, v1  }
0x9f: {  	v18 =	vadd.f32 v20, v1;
	[tilespmem:s18+$0x18B60] =	vst v17;
	v17 =	vld [tilespmem:s24+$0x7F0]  }
0xa0: {  	s29 =	sadd.s32 $0x8, s17;
	v20 =	vld [tilespmem:s21+$0x270];
	[tilespmem:s18+$0x18A60] =	vst v16  }
0xa1: {  	v16 =	vadd.f32 v19, v1;
	s21 =	sshll.u32 s29, $0x8;
	[tilespmem:s18+$0x189E0] =	vst v18;
	v18 =	vld [tilespmem:s19+$0x570]  }
0xa2: {  	s22 =	sand.u32 $0x3FFFFF00, s21;
	v19 =	vadd.f32 v22, v14;
	v22 =	vld [tilespmem:s19+$0x4F0]  }
0xa3: {  	s30 =	sadd.s32 $0x8, s20;
	s25 =	sand.u32 $0x3F800, s21;
	[tilespmem:s18+$0x18960] =	vst v16;
	v24 =	vld [tilespmem:s22+$0x80];
	v16 =	vadd.f32 v23, v0  }
0xa4: {  	s26 =	sshll.u32 s30, $0x8;
	[tilespmem:s18+$0x18BB0] =	vst v19;
	v17 =	vadd.f32 v17, v0;
	v19 =	vld [tilespmem:s25+$0x380]  }
0xa5: {  	s28 =	sand.u32 $0x3F800, s26;
	[tilespmem:s18+$0x18AF0] =	vst v16;
	v16 =	vadd.f32 v20, v0;
	v20 =	vld [tilespmem:s22+$0x180]  }
0xa6: {  	v21 =	vadd.f32 v21, v12;
	[tilespmem:s18+$0x18CF0] =	vst v17;
	v17 =	vadd.f32 v18, v0;
	v18 =	vld [tilespmem:s28+$0x200]  }
0xa7: {  	[tilespmem:s18+$0x18B70] =	vst v16;
	v16 =	vadd.f32 v22, v0;
	v22 =	vld [tilespmem:s22+$0x0]  }
0xa8: {  	[tilespmem:s18+$0x18C40] =	vst v21;
	v21 =	vld [tilespmem:s22+$0x280]  }
0xa9: {  	s31 =	simm.s32 $0x800;
	v23 =	vld [tilespmem:s22+$0x100];
	[tilespmem:s18+$0x18A70] =	vst v17;
	v19 =	vadd.f32 v19, v2  }
0xaa: {  	s23 =	sand.u32 $0x3FFFFF00, s31;
	v17 =	vld [tilespmem:s19+$0x470];
	[tilespmem:s18+$0x189F0] =	vst v16;
	v20 =	vadd.f32 v20, v2  }
0xab: {  	v16 =	vld [tilespmem:s19+$0x6C0];
	v18 =	vadd.f32 v18, v2;
	[tilespmem:s23+$0x18880] =	vst v19  }
0xac: {  	v19 =	vadd.f32 v22, v2;
	[tilespmem:s23+$0x18680] =	vst v20;
	v20 =	vld [tilespmem:s25+$0x390]  }
0xad: {  	v22 =	vadd.f32 v24, v2;
	v46 =	vld [tilespmem:s22+$0x190];
	[tilespmem:s23+$0x18700] =	vst v18  }
0xae: {  	v18 =	vadd.f32 v23, v2;
	[tilespmem:s23+$0x18500] =	vst v19;
	v19 =	vld [tilespmem:s28+$0x210]  }
0xaf: {  	v17 =	vadd.f32 v17, v0;
	[tilespmem:s23+$0x18580] =	vst v22;
	v23 =	vld [tilespmem:s22+$0x10]  }
0xb0: {  	v22 =	vld [tilespmem:s22+$0x90];
	[tilespmem:s23+$0x18600] =	vst v18;
	v18 =	vadd.f32 v21, v2  }
0xb1: {  	[tilespmem:s18+$0x18970] =	vst v17;
	v21 =	vld [tilespmem:s22+$0x110];
	v20 =	vadd.f32 v20, v3  }
0xb2: {  	[tilespmem:s23+$0x18780] =	vst v18;
	v18 =	vld [tilespmem:s25+$0x300];
	v17 =	vadd.f32 v46, v3  }
0xb3: {  	v47 =	vld [tilespmem:s22+$0x290];
	v19 =	vadd.f32 v19, v3;
	[tilespmem:s23+$0x18890] =	vst v20  }
0xb4: {  	v20 =	vadd.f32 v23, v3;
	[tilespmem:s23+$0x18690] =	vst v17;
	v17 =	vld [tilespmem:s25+$0x3A0]  }
0xb5: {  	v22 =	vadd.f32 v22, v3;
	v23 =	vld [tilespmem:s22+$0x1A0];
	[tilespmem:s23+$0x18710] =	vst v19  }
0xb6: {  	v19 =	vadd.f32 v21, v3;
	[tilespmem:s23+$0x18510] =	vst v20;
	v20 =	vld [tilespmem:s28+$0x220]  }
0xb7: {  	[tilespmem:s23+$0x18590] =	vst v22;
	v18 =	vadd.f32 v18, v2;
	v21 =	vld [tilespmem:s22+$0x20]  }
0xb8: {  	v22 =	vld [tilespmem:s22+$0xA0];
	[tilespmem:s23+$0x18610] =	vst v19;
	v19 =	vadd.f32 v47, v3  }
0xb9: {  	v48 =	vld [tilespmem:s22+$0x120];
	[tilespmem:s23+$0x18800] =	vst v18;
	v17 =	vadd.f32 v17, v4  }
0xba: {  	[tilespmem:s23+$0x18790] =	vst v19;
	v19 =	vld [tilespmem:s25+$0x310];
	v18 =	vadd.f32 v23, v4  }
0xbb: {  	v23 =	vld [tilespmem:s22+$0x2A0];
	v20 =	vadd.f32 v20, v4;
	[tilespmem:s23+$0x188A0] =	vst v17  }
0xbc: {  	v17 =	vadd.f32 v21, v4;
	[tilespmem:s23+$0x186A0] =	vst v18;
	v18 =	vld [tilespmem:s25+$0x3B0]  }
0xbd: {  	v21 =	vadd.f32 v22, v4;
	v22 =	vld [tilespmem:s22+$0x1B0];
	[tilespmem:s23+$0x18720] =	vst v20  }
0xbe: {  	[tilespmem:s23+$0x18520] =	vst v17;
	v17 =	vadd.f32 v48, v4;
	v20 =	vld [tilespmem:s28+$0x230]  }
0xbf: {  	[tilespmem:s23+$0x185A0] =	vst v21;
	v19 =	vadd.f32 v19, v3;
	v49 =	vld [tilespmem:s22+$0x30]  }
0xc0: {  	v21 =	vld [tilespmem:s22+$0xB0];
	[tilespmem:s23+$0x18620] =	vst v17;
	v17 =	vadd.f32 v23, v4  }
0xc1: {  	[tilespmem:s23+$0x18810] =	vst v19;
	v23 =	vld [tilespmem:s22+$0x130];
	v18 =	vadd.f32 v18, v5  }
0xc2: {  	v19 =	vadd.f32 v22, v5;
	[tilespmem:s23+$0x187A0] =	vst v17;
	v17 =	vld [tilespmem:s25+$0x320]  }
0xc3: {  	v20 =	vadd.f32 v20, v5;
	v22 =	vld [tilespmem:s22+$0x2B0];
	[tilespmem:s23+$0x188B0] =	vst v18  }
0xc4: {  	v18 =	vadd.f32 v49, v5;
	[tilespmem:s23+$0x186B0] =	vst v19;
	v19 =	vld [tilespmem:s25+$0x3C0]  }
0xc5: {  	v21 =	vadd.f32 v21, v5;
	v50 =	vld [tilespmem:s22+$0x1C0];
	[tilespmem:s23+$0x18730] =	vst v20  }
0xc6: {  	[tilespmem:s23+$0x18530] =	vst v18;
	v18 =	vadd.f32 v23, v5;
	v20 =	vld [tilespmem:s28+$0x240]  }
0xc7: {  	[tilespmem:s23+$0x185B0] =	vst v21;
	v23 =	vld [tilespmem:s22+$0x40];
	v17 =	vadd.f32 v17, v4  }
0xc8: {  	v21 =	vld [tilespmem:s22+$0xC0];
	[tilespmem:s23+$0x18630] =	vst v18;
	v18 =	vadd.f32 v22, v5  }
0xc9: {  	v22 =	vld [tilespmem:s22+$0x140];
	[tilespmem:s23+$0x18820] =	vst v17;
	v17 =	vadd.f32 v19, v6  }
0xca: {  	v19 =	vadd.f32 v50, v6;
	[tilespmem:s23+$0x187B0] =	vst v18;
	v18 =	vld [tilespmem:s25+$0x330]  }
0xcb: {  	v20 =	vadd.f32 v20, v6;
	v51 =	vld [tilespmem:s22+$0x2C0];
	[tilespmem:s23+$0x188C0] =	vst v17  }
0xcc: {  	v17 =	vadd.f32 v23, v6;
	[tilespmem:s23+$0x186C0] =	vst v19;
	v19 =	vld [tilespmem:s25+$0x3D0]  }
0xcd: {  	v21 =	vadd.f32 v21, v6;
	v23 =	vld [tilespmem:s22+$0x1D0];
	[tilespmem:s23+$0x18740] =	vst v20  }
0xce: {  	[tilespmem:s23+$0x18540] =	vst v17;
	v17 =	vadd.f32 v22, v6;
	v20 =	vld [tilespmem:s28+$0x250]  }
0xcf: {  	[tilespmem:s23+$0x185C0] =	vst v21;
	v22 =	vld [tilespmem:s22+$0x50];
	v18 =	vadd.f32 v18, v5  }
0xd0: {  	v21 =	vld [tilespmem:s22+$0xD0];
	[tilespmem:s23+$0x18640] =	vst v17;
	v17 =	vadd.f32 v51, v6  }
0xd1: {  	v52 =	vld [tilespmem:s22+$0x150];
	[tilespmem:s23+$0x18830] =	vst v18;
	v18 =	vadd.f32 v19, v7  }
0xd2: {  	v19 =	vadd.f32 v23, v7;
	[tilespmem:s23+$0x187C0] =	vst v17;
	v17 =	vld [tilespmem:s25+$0x340]  }
0xd3: {  	v20 =	vadd.f32 v20, v7;
	v23 =	vld [tilespmem:s22+$0x2D0];
	[tilespmem:s23+$0x188D0] =	vst v18  }
0xd4: {  	v18 =	vadd.f32 v22, v7;
	[tilespmem:s23+$0x186D0] =	vst v19;
	v19 =	vld [tilespmem:s25+$0x3E0]  }
0xd5: {  	v21 =	vadd.f32 v21, v7;
	v22 =	vld [tilespmem:s22+$0x1E0];
	[tilespmem:s23+$0x18750] =	vst v20  }
0xd6: {  	[tilespmem:s23+$0x18550] =	vst v18;
	v18 =	vadd.f32 v52, v7;
	v20 =	vld [tilespmem:s28+$0x260]  }
0xd7: {  	[tilespmem:s23+$0x185D0] =	vst v21;
	v53 =	vld [tilespmem:s22+$0x60];
	v17 =	vadd.f32 v17, v6  }
0xd8: {  	v21 =	vld [tilespmem:s22+$0xE0];
	[tilespmem:s23+$0x18650] =	vst v18;
	v18 =	vadd.f32 v23, v7  }
0xd9: {  	v23 =	vld [tilespmem:s22+$0x160];
	[tilespmem:s23+$0x18840] =	vst v17;
	v17 =	vadd.f32 v19, v8  }
0xda: {  	v19 =	vadd.f32 v22, v8;
	[tilespmem:s23+$0x187D0] =	vst v18;
	v18 =	vld [tilespmem:s25+$0x350]  }
0xdb: {  	v20 =	vadd.f32 v20, v8;
	v22 =	vld [tilespmem:s22+$0x2E0];
	[tilespmem:s23+$0x188E0] =	vst v17  }
0xdc: {  	v17 =	vadd.f32 v53, v8;
	[tilespmem:s23+$0x186E0] =	vst v19;
	v19 =	vld [tilespmem:s25+$0x3F0]  }
0xdd: {  	v21 =	vadd.f32 v21, v8;
	v54 =	vld [tilespmem:s22+$0x1F0];
	[tilespmem:s23+$0x18760] =	vst v20  }
0xde: {  	[tilespmem:s23+$0x18560] =	vst v17;
	v17 =	vadd.f32 v23, v8;
	v20 =	vld [tilespmem:s28+$0x270]  }
0xdf: {  	[tilespmem:s23+$0x185E0] =	vst v21;
	v23 =	vld [tilespmem:s22+$0x70];
	v18 =	vadd.f32 v18, v7  }
0xe0: {  	v21 =	vld [tilespmem:s22+$0xF0];
	[tilespmem:s23+$0x18660] =	vst v17;
	v17 =	vadd.f32 v22, v8  }
0xe1: {  	v16 =	vadd.f32 v16, v12;
	v22 =	vld [tilespmem:s22+$0x170];
	[tilespmem:s23+$0x18850] =	vst v18  }
0xe2: {  	v18 =	vadd.f32 v54, v10;
	[tilespmem:s23+$0x187E0] =	vst v17;
	v17 =	vld [tilespmem:s25+$0x360]  }
0xe3: {  	[tilespmem:s18+$0x18BC0] =	vst v16;
	v19 =	vadd.f32 v19, v10;
	v55 =	vld [tilespmem:s22+$0x2F0]  }
0xe4: {  	v16 =	vadd.f32 v20, v10;
	[tilespmem:s23+$0x186F0] =	vst v18;
	v18 =	vld [tilespmem:s19+$0x6D0]  }
0xe5: {  	[tilespmem:s23+$0x188F0] =	vst v19;
	v20 =	vadd.f32 v21, v10;
	v21 =	vld [tilespmem:s22+$0x580]  }
0xe6: {  	[tilespmem:s23+$0x18770] =	vst v16;
	v16 =	vld [tilespmem:s21+$0x780];
	v19 =	vadd.f32 v22, v10  }
0xe7: {  	v22 =	vadd.f32 v23, v10;
	[tilespmem:s23+$0x185F0] =	vst v20;
	v20 =	vld [tilespmem:s26+$0x200]  }
0xe8: {  	v23 =	vld [tilespmem:s22+$0x480];
	[tilespmem:s23+$0x18670] =	vst v19;
	v19 =	vadd.f32 v55, v10  }
0xe9: {  	v17 =	vadd.f32 v17, v8;
	[tilespmem:s23+$0x18570] =	vst v22;
	v22 =	vld [tilespmem:s22+$0x500]  }
0xea: {  	v56 =	vld [tilespmem:s22+$0x400];
	v21 =	vadd.f32 v21, v11;
	[tilespmem:s23+$0x187F0] =	vst v19  }
0xeb: {  	[tilespmem:s23+$0x18860] =	vst v17;
	v16 =	vadd.f32 v16, v11;
	v19 =	vld [tilespmem:s22+$0x680]  }
0xec: {  	v17 =	vadd.f32 v20, v11;
	v20 =	vld [tilespmem:s25+$0x370];
	[tilespmem:s23+$0x18A80] =	vst v21  }
0xed: {  	v21 =	vadd.f32 v23, v11;
	[tilespmem:s23+$0x18C80] =	vst v16;
	v23 =	vld [tilespmem:s22+$0x590]  }
0xee: {  	[tilespmem:s23+$0x18B00] =	vst v17;
	v17 =	vld [tilespmem:s21+$0x790];
	v16 =	vadd.f32 v22, v11  }
0xef: {  	v22 =	vadd.f32 v56, v11;
	[tilespmem:s23+$0x18980] =	vst v21;
	v21 =	vld [tilespmem:s26+$0x210]  }
0xf0: {  	v57 =	vld [tilespmem:s22+$0x490];
	[tilespmem:s23+$0x18A00] =	vst v16;
	v16 =	vadd.f32 v19, v11  }
0xf1: {  	[tilespmem:s23+$0x18900] =	vst v22;
	v20 =	vadd.f32 v20, v10;
	v19 =	vld [tilespmem:s22+$0x510]  }
0xf2: {  	v22 =	vld [tilespmem:s22+$0x410];
	v23 =	vadd.f32 v23, v13;
	[tilespmem:s23+$0x18B80] =	vst v16  }
0xf3: {  	[tilespmem:s23+$0x18870] =	vst v20;
	v17 =	vadd.f32 v17, v13;
	v16 =	vld [tilespmem:s22+$0x690]  }
0xf4: {  	v20 =	vadd.f32 v21, v13;
	v21 =	vld [tilespmem:s21+$0x700];
	[tilespmem:s23+$0x18A90] =	vst v23  }
0xf5: {  	v23 =	vadd.f32 v57, v13;
	[tilespmem:s23+$0x18C90] =	vst v17;
	v58 =	vld [tilespmem:s22+$0x5A0]  }
0xf6: {  	[tilespmem:s23+$0x18B10] =	vst v20;
	v17 =	vadd.f32 v19, v13;
	v19 =	vld [tilespmem:s21+$0x7A0]  }
0xf7: {  	v20 =	vadd.f32 v22, v13;
	[tilespmem:s23+$0x18990] =	vst v23;
	v22 =	vld [tilespmem:s26+$0x220]  }
0xf8: {  	v23 =	vld [tilespmem:s22+$0x4A0];
	[tilespmem:s23+$0x18A10] =	vst v17;
	v16 =	vadd.f32 v16, v13  }
0xf9: {  	[tilespmem:s23+$0x18910] =	vst v20;
	v20 =	vadd.f32 v21, v11;
	v17 =	vld [tilespmem:s22+$0x520]  }
0xfa: {  	v21 =	vld [tilespmem:s22+$0x420];
	v24 =	vadd.f32 v58, v15;
	[tilespmem:s23+$0x18B90] =	vst v16  }
0xfb: {  	[tilespmem:s23+$0x18C00] =	vst v20;
	v16 =	vld [tilespmem:s22+$0x6A0];
	v19 =	vadd.f32 v19, v15  }
0xfc: {  	v20 =	vadd.f32 v22, v15;
	v22 =	vld [tilespmem:s21+$0x710];
	[tilespmem:s23+$0x18AA0] =	vst v24  }
0xfd: {  	v18 =	vadd.f32 v18, v9;
	v24 =	vld [tilespmem:s22+$0x5B0];
	[tilespmem:s23+$0x18CA0] =	vst v19  }
0xfe: {  	[tilespmem:s23+$0x18B20] =	vst v20;
	v17 =	vadd.f32 v17, v15;
	v19 =	vld [tilespmem:s21+$0x7B0]  }
0xff: {  	[tilespmem:s18+$0x18BD0] =	vst v18;
	v20 =	vadd.f32 v23, v15;
	v23 =	vld [tilespmem:s26+$0x230]  }
0x100: {  	v18 =	vadd.f32 v21, v15;
	[tilespmem:s23+$0x18A20] =	vst v17;
	v17 =	vld [tilespmem:s19+$0x6E0]  }
0x101: {  	[tilespmem:s23+$0x189A0] =	vst v20;
	v16 =	vadd.f32 v16, v15;
	v20 =	vld [tilespmem:s22+$0x530]  }
0x102: {  	[tilespmem:s23+$0x18920] =	vst v18;
	v18 =	vld [tilespmem:s22+$0x4B0];
	v21 =	vadd.f32 v24, v14  }
0x103: {  	v59 =	vld [tilespmem:s22+$0x430];
	[tilespmem:s23+$0x18BA0] =	vst v16;
	v16 =	vadd.f32 v19, v14  }
0x104: {  	v19 =	vadd.f32 v23, v14;
	[tilespmem:s23+$0x18AB0] =	vst v21;
	v21 =	vld [tilespmem:s24+$0x750]  }
0x105: {  	v22 =	vadd.f32 v22, v13;
	v23 =	vld [tilespmem:s22+$0x5C0];
	[tilespmem:s23+$0x18CB0] =	vst v16  }
0x106: {  	[tilespmem:s23+$0x18B30] =	vst v19;
	v16 =	vadd.f32 v20, v14;
	v19 =	vld [tilespmem:s21+$0x7C0]  }
0x107: {  	[tilespmem:s23+$0x18C10] =	vst v22;
	v18 =	vadd.f32 v18, v14;
	v20 =	vld [tilespmem:s26+$0x240]  }
0x108: {  	v22 =	vadd.f32 v59, v14;
	[tilespmem:s23+$0x18A30] =	vst v16;
	v16 =	vld [tilespmem:s21+$0x720]  }
0x109: {  	[tilespmem:s23+$0x189B0] =	vst v18;
	v18 =	vld [tilespmem:s22+$0x540];
	v21 =	vadd.f32 v21, v9  }
0x10a: {  	[tilespmem:s23+$0x18930] =	vst v22;
	v22 =	vld [tilespmem:s22+$0x4C0];
	v23 =	vadd.f32 v23, v12  }
0x10b: {  	v60 =	vld [tilespmem:s22+$0x440];
	v19 =	vadd.f32 v19, v12;
	[tilespmem:s18+$0x18C50] =	vst v21  }
0x10c: {  	v20 =	vadd.f32 v20, v12;
	[tilespmem:s23+$0x18AC0] =	vst v23;
	v21 =	vld [tilespmem:s24+$0x760]  }
0x10d: {  	v23 =	vld [tilespmem:s22+$0x5D0];
	v16 =	vadd.f32 v16, v15;
	[tilespmem:s23+$0x18CC0] =	vst v19  }
0x10e: {  	[tilespmem:s23+$0x18B40] =	vst v20;
	v18 =	vadd.f32 v18, v12;
	v19 =	vld [tilespmem:s21+$0x7D0]  }
0x10f: {  	v20 =	vadd.f32 v22, v12;
	v22 =	vld [tilespmem:s26+$0x250];
	[tilespmem:s23+$0x18C20] =	vst v16  }
0x110: {  	v16 =	vadd.f32 v60, v12;
	[tilespmem:s23+$0x18A40] =	vst v18;
	v18 =	vld [tilespmem:s21+$0x730]  }
0x111: {  	[tilespmem:s23+$0x189C0] =	vst v20;
	v20 =	vld [tilespmem:s22+$0x550];
	v21 =	vadd.f32 v21, v1  }
0x112: {  	[tilespmem:s23+$0x18940] =	vst v16;
	v16 =	vld [tilespmem:s22+$0x4D0];
	v23 =	vadd.f32 v23, v9  }
0x113: {  	v61 =	vld [tilespmem:s22+$0x450];
	v19 =	vadd.f32 v19, v9;
	[tilespmem:s18+$0x18C60] =	vst v21  }
0x114: {  	v21 =	vadd.f32 v22, v9;
	[tilespmem:s23+$0x18AD0] =	vst v23;
	v22 =	vld [tilespmem:s24+$0x770]  }
0x115: {  	v23 =	vld [tilespmem:s22+$0x5E0];
	v18 =	vadd.f32 v18, v14;
	[tilespmem:s23+$0x18CD0] =	vst v19  }
0x116: {  	[tilespmem:s23+$0x18B50] =	vst v21;
	v19 =	vadd.f32 v20, v9;
	v21 =	vld [tilespmem:s21+$0x7E0]  }
0x117: {  	v16 =	vadd.f32 v16, v9;
	v25 =	vld [tilespmem:s26+$0x260];
	[tilespmem:s23+$0x18C30] =	vst v18  }
0x118: {  	v18 =	vadd.f32 v61, v9;
	[tilespmem:s23+$0x18A50] =	vst v19;
	v62 =	vld [tilespmem:s21+$0x740]  }
0x119: {  	[tilespmem:s23+$0x189D0] =	vst v16;
	v26 =	vld [tilespmem:s22+$0x560];
	v16 =	vadd.f32 v22, v0  }
0x11a: {  	[tilespmem:s23+$0x18950] =	vst v18;
	v18 =	vld [tilespmem:s22+$0x4E0];
	v19 =	vadd.f32 v23, v1  }
0x11b: {  	v20 =	vld [tilespmem:s22+$0x460];
	v22 =	vadd.f32 v21, v1;
	[tilespmem:s18+$0x18C70] =	vst v16  }
0x11c: {  	v16 =	vadd.f32 v25, v1;
	v21 =	vld [tilespmem:s22+$0x6B0];
	[tilespmem:s23+$0x18AE0] =	vst v19  }
0x11d: {  	v63 =	vadd.f32 v17, v1;
	v19 =	vld [tilespmem:s22+$0x5F0];
	[tilespmem:s23+$0x18CE0] =	vst v22  }
0x11e: {  	v17 =	vadd.f32 v62, v12;
	[tilespmem:s23+$0x18B60] =	vst v16;
	v16 =	vld [tilespmem:s21+$0x7F0]  }
0x11f: {  	s25 =	simm.s32 $0x10;
	[tilespmem:s18+$0x18BE0] =	vst v63;
	s24 =	sshrl.u32 s15, $0x2;
	v23 =	vadd.f32 v26, v1;
	v22 =	vadd.f32 v18, v1;
	v18 =	vld [tilespmem:s26+$0x270]  }
.LBB2_3:
0x120: {  	s26 =	sadd.s32 s17, s25;
	p1 =	slt.u32 s25, $0x28  }
0x121: {  	v20 =	vadd.f32 v20, v1;
	[tilespmem:s23+$0x18A60] =	vst v23;
	v23 =	vld [tilespmem:s19+$0x6F0];
	s31 =	smov.u32 s25;
	s25 =	sadd.s32 $0x8, s25;
	s19 =	smov.u32 s22  }
0x122: {  	s28 =	sshll.u32 s26, $0x8;
	[tilespmem:s23+$0x189E0] =	vst v22;
	v22 =	vld [tilespmem:s19+$0x570];
	v21 =	vadd.f32 v21, v14  }
0x123: {  	s22 =	sand.u32 $0x3FFFFF00, s28;
	s29 =	sand.u32 $0x3F800, s28;
	[tilespmem:s23+$0x18960] =	vst v20;
	v20 =	vld [tilespmem:s19+$0x4F0];
	v19 =	vadd.f32 v19, v0  }
0x124: {  	v24 =	vld [tilespmem:s22+$0x100];
	[tilespmem:s23+$0x18BB0] =	vst v21;
	v16 =	vadd.f32 v16, v0  }
0x125: {  	s26 =	sadd.s32 s31, s20;
	v21 =	vld [tilespmem:s22+$0x80];
	[tilespmem:s23+$0x18AF0] =	vst v19;
	v18 =	vadd.f32 v18, v0  }
0x126: {  	s26 =	sshll.u32 s26, $0x8;
	v19 =	vld [tilespmem:s29+$0x380];
	[tilespmem:s23+$0x18CF0] =	vst v16;
	v16 =	vadd.f32 v23, v0  }
0x127: {  	s30 =	sand.u32 $0x3F800, s26;
	v23 =	vld [tilespmem:s22+$0x180];
	v22 =	vadd.f32 v22, v0;
	[tilespmem:s23+$0x18B70] =	vst v18  }
0x128: {  	v18 =	vld [tilespmem:s30+$0x200];
	v20 =	vadd.f32 v20, v0;
	[tilespmem:s18+$0x18BF0] =	vst v16;
	s18 =	smov.u32 s23  }
0x129: {  	v25 =	vld [tilespmem:s22+$0x0];
	[tilespmem:s18+$0x18A70] =	vst v22  }
0x12a: {  	v21 =	vadd.f32 v21, v2;
	v22 =	vld [tilespmem:s19+$0x470];
	[tilespmem:s18+$0x189F0] =	vst v20  }
0x12b: {  	s23 =	sshll.u32 s31, $0x8;
	v20 =	vadd.f32 v24, v2;
	v19 =	vadd.f32 v19, v2;
	v16 =	vld [tilespmem:s19+$0x6C0];
	[tilespmem:s18+$0x18C40] =	vst v17  }
0x12c: {  	s23 =	sand.u32 $0x3FFFFF00, s23;
	v17 =	vadd.f32 v23, v2  }
0x12d: {  	v18 =	vadd.f32 v18, v2;
	v23 =	vld [tilespmem:s22+$0x280];
	[tilespmem:s23+$0x18880] =	vst v19  }
0x12e: {  	v19 =	vadd.f32 v25, v2;
	[tilespmem:s23+$0x18680] =	vst v17;
	v17 =	vld [tilespmem:s29+$0x390]  }
0x12f: {  	v24 =	vld [tilespmem:s22+$0x190];
	[tilespmem:s23+$0x18700] =	vst v18  }
0x130: {  	[tilespmem:s23+$0x18500] =	vst v19;
	v18 =	vld [tilespmem:s30+$0x210]  }
0x131: {  	v19 =	vld [tilespmem:s22+$0x10];
	[tilespmem:s23+$0x18580] =	vst v21;
	v21 =	vadd.f32 v22, v0  }
0x132: {  	v22 =	vld [tilespmem:s22+$0x90];
	[tilespmem:s23+$0x18600] =	vst v20;
	v20 =	vadd.f32 v23, v2  }
0x133: {  	v23 =	vld [tilespmem:s22+$0x110];
	v17 =	vadd.f32 v17, v3;
	[tilespmem:s18+$0x18970] =	vst v21  }
0x134: {  	v21 =	vadd.f32 v24, v3;
	[tilespmem:s23+$0x18780] =	vst v20;
	v20 =	vld [tilespmem:s29+$0x300]  }
0x135: {  	v18 =	vadd.f32 v18, v3;
	v24 =	vld [tilespmem:s22+$0x290];
	[tilespmem:s23+$0x18890] =	vst v17  }
0x136: {  	v17 =	vadd.f32 v19, v3;
	[tilespmem:s23+$0x18690] =	vst v21;
	v19 =	vld [tilespmem:s29+$0x3A0]  }
0x137: {  	v21 =	vadd.f32 v22, v3;
	v22 =	vld [tilespmem:s22+$0x1A0];
	[tilespmem:s23+$0x18710] =	vst v18  }
0x138: {  	[tilespmem:s23+$0x18510] =	vst v17;
	v17 =	vadd.f32 v23, v3;
	v18 =	vld [tilespmem:s30+$0x220]  }
0x139: {  	v23 =	vld [tilespmem:s22+$0x20];
	[tilespmem:s23+$0x18590] =	vst v21;
	v20 =	vadd.f32 v20, v2  }
0x13a: {  	v21 =	vld [tilespmem:s22+$0xA0];
	[tilespmem:s23+$0x18610] =	vst v17;
	v17 =	vadd.f32 v24, v3  }
0x13b: {  	v24 =	vld [tilespmem:s22+$0x120];
	[tilespmem:s23+$0x18800] =	vst v20;
	v19 =	vadd.f32 v19, v4  }
0x13c: {  	v20 =	vadd.f32 v22, v4;
	[tilespmem:s23+$0x18790] =	vst v17;
	v17 =	vld [tilespmem:s29+$0x310]  }
0x13d: {  	v18 =	vadd.f32 v18, v4;
	v22 =	vld [tilespmem:s22+$0x2A0];
	[tilespmem:s23+$0x188A0] =	vst v19  }
0x13e: {  	v19 =	vadd.f32 v23, v4;
	[tilespmem:s23+$0x186A0] =	vst v20;
	v20 =	vld [tilespmem:s29+$0x3B0]  }
0x13f: {  	v21 =	vadd.f32 v21, v4;
	v23 =	vld [tilespmem:s22+$0x1B0];
	[tilespmem:s23+$0x18720] =	vst v18  }
0x140: {  	[tilespmem:s23+$0x18520] =	vst v19;
	v18 =	vadd.f32 v24, v4;
	v19 =	vld [tilespmem:s30+$0x230]  }
0x141: {  	v24 =	vld [tilespmem:s22+$0x30];
	[tilespmem:s23+$0x185A0] =	vst v21;
	v17 =	vadd.f32 v17, v3  }
0x142: {  	v21 =	vld [tilespmem:s22+$0xB0];
	[tilespmem:s23+$0x18620] =	vst v18;
	v18 =	vadd.f32 v22, v4  }
0x143: {  	v22 =	vld [tilespmem:s22+$0x130];
	[tilespmem:s23+$0x18810] =	vst v17;
	v17 =	vadd.f32 v20, v5  }
0x144: {  	v20 =	vadd.f32 v23, v5;
	[tilespmem:s23+$0x187A0] =	vst v18;
	v18 =	vld [tilespmem:s29+$0x320]  }
0x145: {  	v19 =	vadd.f32 v19, v5;
	v23 =	vld [tilespmem:s22+$0x2B0];
	[tilespmem:s23+$0x188B0] =	vst v17  }
0x146: {  	v17 =	vadd.f32 v24, v5;
	[tilespmem:s23+$0x186B0] =	vst v20;
	v20 =	vld [tilespmem:s29+$0x3C0]  }
0x147: {  	v21 =	vadd.f32 v21, v5;
	v24 =	vld [tilespmem:s22+$0x1C0];
	[tilespmem:s23+$0x18730] =	vst v19  }
0x148: {  	[tilespmem:s23+$0x18530] =	vst v17;
	v17 =	vadd.f32 v22, v5;
	v19 =	vld [tilespmem:s30+$0x240]  }
0x149: {  	v22 =	vld [tilespmem:s22+$0x40];
	[tilespmem:s23+$0x185B0] =	vst v21;
	v18 =	vadd.f32 v18, v4  }
0x14a: {  	v21 =	vld [tilespmem:s22+$0xC0];
	[tilespmem:s23+$0x18630] =	vst v17;
	v17 =	vadd.f32 v23, v5  }
0x14b: {  	v23 =	vld [tilespmem:s22+$0x140];
	[tilespmem:s23+$0x18820] =	vst v18;
	v18 =	vadd.f32 v20, v6  }
0x14c: {  	v20 =	vadd.f32 v24, v6;
	[tilespmem:s23+$0x187B0] =	vst v17;
	v17 =	vld [tilespmem:s29+$0x330]  }
0x14d: {  	v19 =	vadd.f32 v19, v6;
	v24 =	vld [tilespmem:s22+$0x2C0];
	[tilespmem:s23+$0x188C0] =	vst v18  }
0x14e: {  	v18 =	vadd.f32 v22, v6;
	[tilespmem:s23+$0x186C0] =	vst v20;
	v20 =	vld [tilespmem:s29+$0x3D0]  }
0x14f: {  	v21 =	vadd.f32 v21, v6;
	v22 =	vld [tilespmem:s22+$0x1D0];
	[tilespmem:s23+$0x18740] =	vst v19  }
0x150: {  	[tilespmem:s23+$0x18540] =	vst v18;
	v18 =	vadd.f32 v23, v6;
	v19 =	vld [tilespmem:s30+$0x250]  }
0x151: {  	v23 =	vld [tilespmem:s22+$0x50];
	[tilespmem:s23+$0x185C0] =	vst v21;
	v17 =	vadd.f32 v17, v5  }
0x152: {  	v21 =	vld [tilespmem:s22+$0xD0];
	[tilespmem:s23+$0x18640] =	vst v18;
	v18 =	vadd.f32 v24, v6  }
0x153: {  	v24 =	vld [tilespmem:s22+$0x150];
	[tilespmem:s23+$0x18830] =	vst v17;
	v17 =	vadd.f32 v20, v7  }
0x154: {  	v20 =	vadd.f32 v22, v7;
	[tilespmem:s23+$0x187C0] =	vst v18;
	v18 =	vld [tilespmem:s29+$0x340]  }
0x155: {  	v19 =	vadd.f32 v19, v7;
	v22 =	vld [tilespmem:s22+$0x2D0];
	[tilespmem:s23+$0x188D0] =	vst v17  }
0x156: {  	v17 =	vadd.f32 v23, v7;
	[tilespmem:s23+$0x186D0] =	vst v20;
	v20 =	vld [tilespmem:s29+$0x3E0]  }
0x157: {  	v21 =	vadd.f32 v21, v7;
	v23 =	vld [tilespmem:s22+$0x1E0];
	[tilespmem:s23+$0x18750] =	vst v19  }
0x158: {  	[tilespmem:s23+$0x18550] =	vst v17;
	v17 =	vadd.f32 v24, v7;
	v19 =	vld [tilespmem:s30+$0x260]  }
0x159: {  	v24 =	vld [tilespmem:s22+$0x60];
	[tilespmem:s23+$0x185D0] =	vst v21;
	v18 =	vadd.f32 v18, v6  }
0x15a: {  	v21 =	vld [tilespmem:s22+$0xE0];
	[tilespmem:s23+$0x18650] =	vst v17;
	v17 =	vadd.f32 v22, v7  }
0x15b: {  	v22 =	vld [tilespmem:s22+$0x160];
	[tilespmem:s23+$0x18840] =	vst v18;
	v18 =	vadd.f32 v20, v8  }
0x15c: {  	v20 =	vadd.f32 v23, v8;
	[tilespmem:s23+$0x187D0] =	vst v17;
	v17 =	vld [tilespmem:s29+$0x350]  }
0x15d: {  	v19 =	vadd.f32 v19, v8;
	v23 =	vld [tilespmem:s22+$0x2E0];
	[tilespmem:s23+$0x188E0] =	vst v18  }
0x15e: {  	v18 =	vadd.f32 v24, v8;
	[tilespmem:s23+$0x186E0] =	vst v20;
	v20 =	vld [tilespmem:s29+$0x3F0]  }
0x15f: {  	v21 =	vadd.f32 v21, v8;
	v24 =	vld [tilespmem:s22+$0x1F0];
	[tilespmem:s23+$0x18760] =	vst v19  }
0x160: {  	[tilespmem:s23+$0x18560] =	vst v18;
	v18 =	vadd.f32 v22, v8;
	v19 =	vld [tilespmem:s30+$0x270]  }
0x161: {  	v22 =	vld [tilespmem:s22+$0x70];
	[tilespmem:s23+$0x185E0] =	vst v21;
	v17 =	vadd.f32 v17, v7  }
0x162: {  	v21 =	vld [tilespmem:s22+$0xF0];
	[tilespmem:s23+$0x18660] =	vst v18;
	v18 =	vadd.f32 v23, v8  }
0x163: {  	v16 =	vadd.f32 v16, v12;
	v23 =	vld [tilespmem:s22+$0x170];
	[tilespmem:s23+$0x18850] =	vst v17  }
0x164: {  	v20 =	vadd.f32 v20, v10;
	v17 =	vadd.f32 v24, v10;
	[tilespmem:s23+$0x187E0] =	vst v18;
	v18 =	vld [tilespmem:s29+$0x360]  }
0x165: {  	v24 =	vld [tilespmem:s22+$0x2F0];
	[tilespmem:s18+$0x18BC0] =	vst v16  }
0x166: {  	v16 =	vadd.f32 v22, v10;
	[tilespmem:s23+$0x186F0] =	vst v17;
	v17 =	vadd.f32 v19, v10;
	v19 =	vld [tilespmem:s19+$0x6D0]  }
0x167: {  	v21 =	vadd.f32 v21, v10;
	v22 =	vld [tilespmem:s22+$0x580];
	[tilespmem:s23+$0x188F0] =	vst v20  }
0x168: {  	v20 =	vadd.f32 v23, v10;
	[tilespmem:s23+$0x18770] =	vst v17;
	v17 =	vld [tilespmem:s28+$0x780]  }
0x169: {  	[tilespmem:s23+$0x185F0] =	vst v21;
	v21 =	vld [tilespmem:s26+$0x200]  }
0x16a: {  	v23 =	vld [tilespmem:s22+$0x480];
	[tilespmem:s23+$0x18670] =	vst v20;
	v20 =	vadd.f32 v24, v10  }
0x16b: {  	v18 =	vadd.f32 v18, v8;
	[tilespmem:s23+$0x18570] =	vst v16;
	v16 =	vld [tilespmem:s22+$0x500]  }
0x16c: {  	v24 =	vld [tilespmem:s22+$0x400];
	v22 =	vadd.f32 v22, v11;
	[tilespmem:s23+$0x187F0] =	vst v20  }
0x16d: {  	v20 =	vld [tilespmem:s22+$0x680];
	[tilespmem:s23+$0x18860] =	vst v18;
	v17 =	vadd.f32 v17, v11  }
0x16e: {  	[tilespmem:s23+$0x18A80] =	vst v22;
	v18 =	vadd.f32 v21, v11;
	v21 =	vld [tilespmem:s29+$0x370]  }
0x16f: {  	v22 =	vadd.f32 v23, v11;
	v23 =	vld [tilespmem:s22+$0x590];
	[tilespmem:s23+$0x18C80] =	vst v17  }
0x170: {  	v16 =	vadd.f32 v16, v11;
	[tilespmem:s23+$0x18B00] =	vst v18;
	v17 =	vld [tilespmem:s28+$0x790]  }
0x171: {  	v18 =	vadd.f32 v24, v11;
	[tilespmem:s23+$0x18980] =	vst v22;
	v22 =	vld [tilespmem:s26+$0x210]  }
0x172: {  	v24 =	vld [tilespmem:s22+$0x490];
	[tilespmem:s23+$0x18A00] =	vst v16;
	v16 =	vadd.f32 v20, v11  }
0x173: {  	[tilespmem:s23+$0x18900] =	vst v18;
	v18 =	vld [tilespmem:s22+$0x510];
	v20 =	vadd.f32 v21, v10  }
0x174: {  	v21 =	vld [tilespmem:s22+$0x410];
	v23 =	vadd.f32 v23, v13;
	[tilespmem:s23+$0x18B80] =	vst v16  }
0x175: {  	v16 =	vld [tilespmem:s22+$0x690];
	[tilespmem:s23+$0x18870] =	vst v20;
	v17 =	vadd.f32 v17, v13  }
0x176: {  	[tilespmem:s23+$0x18A90] =	vst v23;
	v20 =	vadd.f32 v22, v13;
	v22 =	vld [tilespmem:s28+$0x700]  }
0x177: {  	v23 =	vadd.f32 v24, v13;
	v24 =	vld [tilespmem:s22+$0x5A0];
	[tilespmem:s23+$0x18C90] =	vst v17  }
0x178: {  	v17 =	vadd.f32 v18, v13;
	[tilespmem:s23+$0x18B10] =	vst v20;
	v18 =	vld [tilespmem:s28+$0x7A0]  }
0x179: {  	v20 =	vadd.f32 v21, v13;
	[tilespmem:s23+$0x18990] =	vst v23;
	v21 =	vld [tilespmem:s26+$0x220]  }
0x17a: {  	v23 =	vld [tilespmem:s22+$0x4A0];
	[tilespmem:s23+$0x18A10] =	vst v17;
	v16 =	vadd.f32 v16, v13  }
0x17b: {  	[tilespmem:s23+$0x18910] =	vst v20;
	v17 =	vld [tilespmem:s22+$0x520];
	v20 =	vadd.f32 v22, v11  }
0x17c: {  	v22 =	vld [tilespmem:s22+$0x420];
	v24 =	vadd.f32 v24, v15;
	[tilespmem:s23+$0x18B90] =	vst v16  }
0x17d: {  	v16 =	vld [tilespmem:s22+$0x6A0];
	[tilespmem:s23+$0x18C00] =	vst v20;
	v18 =	vadd.f32 v18, v15  }
0x17e: {  	[tilespmem:s23+$0x18AA0] =	vst v24;
	v20 =	vadd.f32 v21, v15;
	v21 =	vld [tilespmem:s28+$0x710]  }
0x17f: {  	v24 =	vld [tilespmem:s22+$0x5B0];
	[tilespmem:s23+$0x18CA0] =	vst v18;
	v18 =	vadd.f32 v19, v9  }
0x180: {  	v17 =	vadd.f32 v17, v15;
	[tilespmem:s23+$0x18B20] =	vst v20;
	v19 =	vld [tilespmem:s28+$0x7B0]  }
0x181: {  	v20 =	vadd.f32 v22, v15;
	v22 =	vadd.f32 v23, v15;
	v23 =	vld [tilespmem:s26+$0x230];
	[tilespmem:s18+$0x18BD0] =	vst v18  }
0x182: {  	[tilespmem:s23+$0x18A20] =	vst v17;
	v16 =	vadd.f32 v16, v15;
	v17 =	vld [tilespmem:s19+$0x6E0]  }
0x183: {  	[tilespmem:s23+$0x189A0] =	vst v22;
	v18 =	vld [tilespmem:s22+$0x530]  }
0x184: {  	[tilespmem:s23+$0x18920] =	vst v20;
	v20 =	vld [tilespmem:s22+$0x4B0];
	v22 =	vadd.f32 v24, v14  }
0x185: {  	v24 =	vld [tilespmem:s22+$0x430];
	[tilespmem:s23+$0x18BA0] =	vst v16;
	v16 =	vadd.f32 v19, v14  }
0x186: {  	[tilespmem:s23+$0x18AB0] =	vst v22;
	v19 =	vadd.f32 v23, v14;
	v22 =	vld [tilespmem:s21+$0x750]  }
0x187: {  	v21 =	vadd.f32 v21, v13;
	v23 =	vld [tilespmem:s22+$0x5C0];
	[tilespmem:s23+$0x18CB0] =	vst v16  }
0x188: {  	v16 =	vadd.f32 v18, v14;
	[tilespmem:s23+$0x18B30] =	vst v19;
	v18 =	vld [tilespmem:s28+$0x7C0]  }
0x189: {  	v19 =	vadd.f32 v20, v14;
	v20 =	vld [tilespmem:s26+$0x240];
	[tilespmem:s23+$0x18C10] =	vst v21  }
0x18a: {  	v21 =	vadd.f32 v24, v14;
	[tilespmem:s23+$0x18A30] =	vst v16;
	v16 =	vld [tilespmem:s28+$0x720]  }
0x18b: {  	[tilespmem:s23+$0x189B0] =	vst v19;
	v19 =	vld [tilespmem:s22+$0x540];
	v22 =	vadd.f32 v22, v9  }
0x18c: {  	[tilespmem:s23+$0x18930] =	vst v21;
	v21 =	vld [tilespmem:s22+$0x4C0];
	v23 =	vadd.f32 v23, v12  }
0x18d: {  	v24 =	vld [tilespmem:s22+$0x440];
	v18 =	vadd.f32 v18, v12;
	[tilespmem:s18+$0x18C50] =	vst v22  }
0x18e: {  	[tilespmem:s23+$0x18AC0] =	vst v23;
	v20 =	vadd.f32 v20, v12;
	v22 =	vld [tilespmem:s21+$0x760]  }
0x18f: {  	v23 =	vld [tilespmem:s22+$0x5D0];
	v16 =	vadd.f32 v16, v15;
	[tilespmem:s23+$0x18CC0] =	vst v18  }
0x190: {  	v18 =	vadd.f32 v19, v12;
	[tilespmem:s23+$0x18B40] =	vst v20;
	v19 =	vld [tilespmem:s28+$0x7D0]  }
0x191: {  	v20 =	vadd.f32 v21, v12;
	v21 =	vld [tilespmem:s26+$0x250];
	[tilespmem:s23+$0x18C20] =	vst v16  }
0x192: {  	v16 =	vadd.f32 v24, v12;
	[tilespmem:s23+$0x18A40] =	vst v18;
	v18 =	vld [tilespmem:s28+$0x730]  }
0x193: {  	[tilespmem:s23+$0x189C0] =	vst v20;
	v20 =	vld [tilespmem:s22+$0x550];
	v22 =	vadd.f32 v22, v1  }
0x194: {  	[tilespmem:s23+$0x18940] =	vst v16;
	v16 =	vld [tilespmem:s22+$0x4D0];
	v23 =	vadd.f32 v23, v9  }
0x195: {  	v24 =	vld [tilespmem:s22+$0x450];
	v19 =	vadd.f32 v19, v9;
	[tilespmem:s18+$0x18C60] =	vst v22  }
0x196: {  	[tilespmem:s23+$0x18AD0] =	vst v23;
	v21 =	vadd.f32 v21, v9;
	v22 =	vld [tilespmem:s21+$0x770];
	s21 =	smov.u32 s28  }
0x197: {  	v23 =	vld [tilespmem:s22+$0x5E0];
	v18 =	vadd.f32 v18, v14;
	[tilespmem:s23+$0x18CD0] =	vst v19  }
0x198: {  	v19 =	vadd.f32 v20, v9;
	[tilespmem:s23+$0x18B50] =	vst v21;
	v21 =	vld [tilespmem:s21+$0x7E0]  }
0x199: {  	v16 =	vadd.f32 v16, v9;
	v25 =	vld [tilespmem:s26+$0x260];
	[tilespmem:s23+$0x18C30] =	vst v18  }
0x19a: {  	v18 =	vadd.f32 v24, v9;
	[tilespmem:s23+$0x18A50] =	vst v19;
	v24 =	vld [tilespmem:s21+$0x740]  }
0x19b: {  	[tilespmem:s23+$0x189D0] =	vst v16;
	v16 =	vld [tilespmem:s22+$0x560];
	v19 =	vadd.f32 v22, v0  }
0x19c: {  	[tilespmem:s23+$0x18950] =	vst v18;
	v18 =	vld [tilespmem:s22+$0x4E0];
	v22 =	vadd.f32 v23, v1  }
.Ltmp0:
0x19d: {  	v20 =	vld [tilespmem:s22+$0x460];
	v23 =	vadd.f32 v21, v1;
	[tilespmem:s18+$0x18C70] =	vst v19;
	(pc) =	sbr.rel @p1 .LBB2_3-.Ltmp0, $4  }
0x19e: {  	[tilespmem:s23+$0x18AE0] =	vst v22;
	v22 =	vadd.f32 v25, v1;
	v21 =	vld [tilespmem:s22+$0x6B0];
	v25 =	vadd.f32 v17, v1  }
0x19f: {  	v19 =	vld [tilespmem:s22+$0x5F0];
	v17 =	vadd.f32 v24, v12;
	[tilespmem:s23+$0x18CE0] =	vst v23  }
0x1a0: {  	v23 =	vadd.f32 v16, v1;
	[tilespmem:s23+$0x18B60] =	vst v22;
	v16 =	vld [tilespmem:s21+$0x7F0]  }
0x1a1: {  	v22 =	vadd.f32 v18, v1;
	v18 =	vld [tilespmem:s26+$0x270];
	[tilespmem:s18+$0x18BE0] =	vst v25  }
0x1a2: {  	_ = 	snop  }
0x1a3: {  	v2 =	vadd.f32 v21, v14;
	_ =	sdelay $0x1  }
0x1a4: {  	[tilespmem:s23+$0x18BB0] =	vst v2  }
0x1a5: {  	v2 =	vld [tilespmem:s22+$0x6C0];
	_ =	sdelay $0x4  }
0x1a6: {  	v2 =	vadd.f32 v2, v12  }
0x1a7: {  	[tilespmem:s23+$0x18C40] =	vst v17  }
0x1a8: {  	[tilespmem:s23+$0x18BC0] =	vst v2;
	v2 =	vld [tilespmem:s21+$0x750]  }
0x1a9: {  	v3 =	vld [tilespmem:s22+$0x6D0];
	_ =	sdelay $0x3  }
0x1aa: {  	v2 =	vadd.f32 v2, v9  }
0x1ab: {  	v3 =	vadd.f32 v3, v9  }
0x1ac: {  	[tilespmem:s23+$0x18C50] =	vst v2  }
0x1ad: {  	[tilespmem:s23+$0x18BD0] =	vst v3;
	v2 =	vld [tilespmem:s21+$0x760]  }
0x1ae: {  	v3 =	vld [tilespmem:s22+$0x6E0];
	_ =	sdelay $0x1  }
0x1af: {  	v4 =	vadd.f32 v20, v1;
	[tilespmem:s23+$0x18A60] =	vst v23  }
0x1b0: {  	v5 =	vld [tilespmem:s19+$0x6F0];
	[tilespmem:s23+$0x189E0] =	vst v22;
	v6 =	vadd.f32 v19, v0  }
0x1b1: {  	v7 =	vld [tilespmem:s22+$0x570];
	[tilespmem:s23+$0x18960] =	vst v4;
	v2 =	vadd.f32 v2, v1  }
0x1b2: {  	v4 =	vld [tilespmem:s22+$0x4F0];
	[tilespmem:s23+$0x18AF0] =	vst v6;
	v1 =	vadd.f32 v3, v1  }
0x1b3: {  	v6 =	vld [tilespmem:s22+$0x470];
	v3 =	vadd.f32 v16, v0;
	[tilespmem:s23+$0x18C60] =	vst v2  }
0x1b4: {  	v2 =	vadd.f32 v18, v0;
	v8 =	vld [tilespmem:s21+$0x770];
	[tilespmem:s23+$0x18BE0] =	vst v1  }
0x1b5: {  	[tilespmem:s23+$0x18CF0] =	vst v3;
	v1 =	vadd.f32 v5, v0;
	v3 =	vld [tilespmem:s22+$0x6F0]  }
0x1b6: {  	v5 =	vadd.f32 v7, v0;
	[tilespmem:s23+$0x18B70] =	vst v2  }
0x1b7: {  	s21 =	sadd.s32 s5, s24;
	v2 =	vadd.f32 v4, v0;
	[tilespmem:s18+$0x18BF0] =	vst v1  }
0x1b8: {  	[tilespmem:s23+$0x18A70] =	vst v5;
	v1 =	vadd.f32 v6, v0;
	s18 =	smul.u32 $0x180, s21  }
0x1b9: {  	[tilespmem:s23+$0x189F0] =	vst v2;
	v2 =	vadd.f32 v8, v0  }
0x1ba: {  	[tilespmem:s23+$0x18970] =	vst v1;
	s22 =	sadd.s32 s17, s18;
	v0 =	vadd.f32 v3, v0  }
0x1bb: {  	s19 =	sshll.u32 s22, $0x5;
	[tilespmem:s23+$0x18C70] =	vst v2  }
0x1bc: {  	s19 =	sadd.s32 s4, s19;
	[tilespmem:s23+$0x18BF0] =	vst v0  }
0x1bd: {  	[hbm4b:s19+s3] =	stream.linear.scatter [tilespmem:s10], [sflag:$0x1], $0x3000, $0x38;
	[tilespmem:$0x1E500] =	vst v63  }
0x1be: {  	s19 =	simm.s32 @!p0 $0x2  }
0x1bf: {  	_ =	swait.ge @!p0 [sflag:s19], $0x3000  }
0x1c0: {  	[sflag:s19] =	ssyncset.done @!p0 $0x0  }
0x1c1: {  	[sflag:s19] =	ssyncadd.s32 @!p0 $0xFFFFD000  }
0x1c2: {  	v1 =	vld [tilespmem:s16+$0x18000]  }
0x1c3: {  	v2 =	vld [tilespmem:s16+$0x18010]  }
0x1c4: {  	v3 =	vld [tilespmem:s16+$0x18020]  }
0x1c5: {  	v4 =	vld [tilespmem:s16+$0x18030]  }
0x1c6: {  	v5 =	vld [tilespmem:s16+$0x18040]  }
0x1c7: {  	v6 =	vld [tilespmem:s16+$0x18050]  }
0x1c8: {  	v7 =	vld [tilespmem:s16+$0x18060]  }
0x1c9: {  	v8 =	vld [tilespmem:s16+$0x18070]  }
0x1ca: {  	v9 =	vld [tilespmem:s16+$0x18080]  }
0x1cb: {  	v10 =	vld [tilespmem:s16+$0x18090]  }
0x1cc: {  	v11 =	vld [tilespmem:s16+$0x180A0]  }
0x1cd: {  	v12 =	vld [tilespmem:s16+$0x180B0]  }
0x1ce: {  	s20 =	sadd.s32 $0x37, s17;
	v13 =	vld [tilespmem:s16+$0x180C0]  }
0x1cf: {  	s23 =	sadd.s32 $0x0, s20;
	s19 =	sadd.s32 $0x30, s17;
	v14 =	vld [tilespmem:s16+$0x180D0]  }
0x1d0: {  	s25 =	sshll.u32 s23, $0x8;
	v15 =	vld [tilespmem:s16+$0x180E0];
	s24 =	sadd.s32 $0x0, s19  }
0x1d1: {  	s28 =	sand.u32 $0x7F800, s25;
	v0 =	vld [tilespmem:s16+$0x180F0];
	s26 =	sshll.u32 s24, $0x8  }
0x1d2: {  	v16 =	vld [tilespmem:s28+$0x380];
	s22 =	sand.u32 $0x3FFFFF00, s26  }
0x1d3: {  	s21 =	sadd.s32 $0x34, s17;
	v17 =	vld [tilespmem:s22+$0x0]  }
0x1d4: {  	s29 =	sadd.s32 $0x0, s21;
	v18 =	vld [tilespmem:s22+$0x80]  }
0x1d5: {  	s23 =	sshll.u32 s29, $0x8;
	s17 =	sadd.s32 $0x36, s17;
	v19 =	vld [tilespmem:s22+$0x100]  }
0x1d6: {  	s30 =	sadd.s32 $0x0, s17;
	s26 =	sand.u32 $0x7F800, s23;
	v20 =	vld [tilespmem:s22+$0x180]  }
0x1d7: {  	s29 =	simm.s32 $0x0;
	s24 =	sshll.u32 s30, $0x8;
	v21 =	vld [tilespmem:s26+$0x200];
	v16 =	vadd.f32 v16, v1  }
0x1d8: {  	s16 =	sand.u32 $0x3FFFFF00, s29;
	s31 =	sand.u32 $0x7F800, s24;
	v22 =	vld [tilespmem:s22+$0x280];
	v17 =	vadd.f32 v17, v1  }
0x1d9: {  	v23 =	vld [tilespmem:s31+$0x300];
	[tilespmem:s16+$0x1B880] =	vst v16;
	v18 =	vadd.f32 v18, v1  }
0x1da: {  	v16 =	vadd.f32 v19, v1;
	[tilespmem:s16+$0x1B500] =	vst v17;
	v17 =	vld [tilespmem:s28+$0x390]  }
0x1db: {  	[tilespmem:s16+$0x1B580] =	vst v18;
	v18 =	vadd.f32 v20, v1;
	v19 =	vld [tilespmem:s22+$0x10]  }
0x1dc: {  	[tilespmem:s16+$0x1B600] =	vst v16;
	v16 =	vadd.f32 v21, v1;
	v20 =	vld [tilespmem:s22+$0x90]  }
0x1dd: {  	v21 =	vld [tilespmem:s22+$0x110];
	[tilespmem:s16+$0x1B680] =	vst v18;
	v18 =	vadd.f32 v22, v1  }
0x1de: {  	[tilespmem:s16+$0x1B700] =	vst v16;
	v16 =	vadd.f32 v23, v1;
	v22 =	vld [tilespmem:s22+$0x190]  }
0x1df: {  	v23 =	vld [tilespmem:s26+$0x210];
	[tilespmem:s16+$0x1B780] =	vst v18;
	v17 =	vadd.f32 v17, v2  }
0x1e0: {  	[tilespmem:s16+$0x1B800] =	vst v16;
	v18 =	vadd.f32 v19, v2;
	v19 =	vld [tilespmem:s22+$0x290]  }
0x1e1: {  	v16 =	vadd.f32 v20, v2;
	v20 =	vld [tilespmem:s31+$0x310];
	[tilespmem:s16+$0x1B890] =	vst v17  }
0x1e2: {  	v17 =	vadd.f32 v21, v2;
	[tilespmem:s16+$0x1B510] =	vst v18;
	v18 =	vld [tilespmem:s28+$0x3A0]  }
0x1e3: {  	[tilespmem:s16+$0x1B590] =	vst v16;
	v16 =	vadd.f32 v22, v2;
	v21 =	vld [tilespmem:s22+$0x20]  }
0x1e4: {  	v22 =	vld [tilespmem:s22+$0xA0];
	[tilespmem:s16+$0x1B610] =	vst v17;
	v17 =	vadd.f32 v23, v2  }
0x1e5: {  	v23 =	vld [tilespmem:s22+$0x120];
	[tilespmem:s16+$0x1B690] =	vst v16;
	v16 =	vadd.f32 v19, v2  }
0x1e6: {  	v19 =	vld [tilespmem:s22+$0x1A0];
	[tilespmem:s16+$0x1B710] =	vst v17;
	v17 =	vadd.f32 v20, v2  }
0x1e7: {  	v20 =	vld [tilespmem:s26+$0x220];
	[tilespmem:s16+$0x1B790] =	vst v16;
	v16 =	vadd.f32 v18, v3  }
0x1e8: {  	[tilespmem:s16+$0x1B810] =	vst v17;
	v18 =	vadd.f32 v21, v3;
	v21 =	vld [tilespmem:s22+$0x2A0]  }
0x1e9: {  	v17 =	vadd.f32 v22, v3;
	v22 =	vld [tilespmem:s31+$0x320];
	[tilespmem:s16+$0x1B8A0] =	vst v16  }
0x1ea: {  	v16 =	vadd.f32 v23, v3;
	[tilespmem:s16+$0x1B520] =	vst v18;
	v18 =	vld [tilespmem:s28+$0x3B0]  }
0x1eb: {  	[tilespmem:s16+$0x1B5A0] =	vst v17;
	v17 =	vadd.f32 v19, v3;
	v23 =	vld [tilespmem:s22+$0x30]  }
0x1ec: {  	v19 =	vld [tilespmem:s22+$0xB0];
	[tilespmem:s16+$0x1B620] =	vst v16;
	v16 =	vadd.f32 v20, v3  }
0x1ed: {  	v20 =	vld [tilespmem:s22+$0x130];
	[tilespmem:s16+$0x1B6A0] =	vst v17;
	v17 =	vadd.f32 v21, v3  }
0x1ee: {  	v21 =	vld [tilespmem:s22+$0x1B0];
	[tilespmem:s16+$0x1B720] =	vst v16;
	v16 =	vadd.f32 v22, v3  }
0x1ef: {  	v22 =	vld [tilespmem:s26+$0x230];
	[tilespmem:s16+$0x1B7A0] =	vst v17;
	v17 =	vadd.f32 v18, v4  }
0x1f0: {  	[tilespmem:s16+$0x1B820] =	vst v16;
	v18 =	vadd.f32 v23, v4;
	v23 =	vld [tilespmem:s22+$0x2B0]  }
0x1f1: {  	v16 =	vadd.f32 v19, v4;
	v19 =	vld [tilespmem:s31+$0x330];
	[tilespmem:s16+$0x1B8B0] =	vst v17  }
0x1f2: {  	v17 =	vadd.f32 v20, v4;
	[tilespmem:s16+$0x1B530] =	vst v18;
	v18 =	vld [tilespmem:s28+$0x3C0]  }
0x1f3: {  	[tilespmem:s16+$0x1B5B0] =	vst v16;
	v16 =	vadd.f32 v21, v4;
	v20 =	vld [tilespmem:s22+$0x40]  }
0x1f4: {  	v21 =	vld [tilespmem:s22+$0xC0];
	[tilespmem:s16+$0x1B630] =	vst v17;
	v17 =	vadd.f32 v22, v4  }
0x1f5: {  	v22 =	vld [tilespmem:s22+$0x140];
	[tilespmem:s16+$0x1B6B0] =	vst v16;
	v16 =	vadd.f32 v23, v4  }
0x1f6: {  	v23 =	vld [tilespmem:s22+$0x1C0];
	[tilespmem:s16+$0x1B730] =	vst v17;
	v17 =	vadd.f32 v19, v4  }
0x1f7: {  	v19 =	vld [tilespmem:s26+$0x240];
	[tilespmem:s16+$0x1B7B0] =	vst v16;
	v16 =	vadd.f32 v18, v5  }
0x1f8: {  	[tilespmem:s16+$0x1B830] =	vst v17;
	v18 =	vadd.f32 v20, v5;
	v20 =	vld [tilespmem:s22+$0x2C0]  }
0x1f9: {  	v17 =	vadd.f32 v21, v5;
	v21 =	vld [tilespmem:s31+$0x340];
	[tilespmem:s16+$0x1B8C0] =	vst v16  }
0x1fa: {  	v16 =	vadd.f32 v22, v5;
	[tilespmem:s16+$0x1B540] =	vst v18;
	v18 =	vld [tilespmem:s28+$0x3D0]  }
0x1fb: {  	[tilespmem:s16+$0x1B5C0] =	vst v17;
	v17 =	vadd.f32 v23, v5;
	v22 =	vld [tilespmem:s22+$0x50]  }
0x1fc: {  	v23 =	vld [tilespmem:s22+$0xD0];
	[tilespmem:s16+$0x1B640] =	vst v16;
	v16 =	vadd.f32 v19, v5  }
0x1fd: {  	v19 =	vld [tilespmem:s22+$0x150];
	[tilespmem:s16+$0x1B6C0] =	vst v17;
	v17 =	vadd.f32 v20, v5  }
0x1fe: {  	v20 =	vld [tilespmem:s22+$0x1D0];
	[tilespmem:s16+$0x1B740] =	vst v16;
	v16 =	vadd.f32 v21, v5  }
0x1ff: {  	v21 =	vld [tilespmem:s26+$0x250];
	[tilespmem:s16+$0x1B7C0] =	vst v17;
	v17 =	vadd.f32 v18, v6  }
0x200: {  	[tilespmem:s16+$0x1B840] =	vst v16;
	v18 =	vadd.f32 v22, v6;
	v22 =	vld [tilespmem:s22+$0x2D0]  }
0x201: {  	v16 =	vadd.f32 v23, v6;
	v23 =	vld [tilespmem:s31+$0x350];
	[tilespmem:s16+$0x1B8D0] =	vst v17  }
0x202: {  	v17 =	vadd.f32 v19, v6;
	[tilespmem:s16+$0x1B550] =	vst v18;
	v18 =	vld [tilespmem:s28+$0x3E0]  }
0x203: {  	[tilespmem:s16+$0x1B5D0] =	vst v16;
	v16 =	vadd.f32 v20, v6;
	v19 =	vld [tilespmem:s22+$0x60]  }
0x204: {  	v20 =	vld [tilespmem:s22+$0xE0];
	[tilespmem:s16+$0x1B650] =	vst v17;
	v17 =	vadd.f32 v21, v6  }
0x205: {  	v21 =	vld [tilespmem:s22+$0x160];
	[tilespmem:s16+$0x1B6D0] =	vst v16;
	v16 =	vadd.f32 v22, v6  }
0x206: {  	v22 =	vld [tilespmem:s22+$0x1E0];
	[tilespmem:s16+$0x1B750] =	vst v17;
	v17 =	vadd.f32 v23, v6  }
0x207: {  	v23 =	vld [tilespmem:s26+$0x260];
	[tilespmem:s16+$0x1B7D0] =	vst v16;
	v16 =	vadd.f32 v18, v7  }
0x208: {  	[tilespmem:s16+$0x1B850] =	vst v17;
	v18 =	vadd.f32 v19, v7;
	v19 =	vld [tilespmem:s22+$0x2E0]  }
0x209: {  	v17 =	vadd.f32 v20, v7;
	v20 =	vld [tilespmem:s31+$0x360];
	[tilespmem:s16+$0x1B8E0] =	vst v16  }
0x20a: {  	v16 =	vadd.f32 v21, v7;
	[tilespmem:s16+$0x1B560] =	vst v18;
	v18 =	vld [tilespmem:s28+$0x3F0]  }
0x20b: {  	[tilespmem:s16+$0x1B5E0] =	vst v17;
	v17 =	vadd.f32 v22, v7;
	v21 =	vld [tilespmem:s22+$0x70]  }
0x20c: {  	v22 =	vld [tilespmem:s22+$0xF0];
	[tilespmem:s16+$0x1B660] =	vst v16;
	v16 =	vadd.f32 v23, v7  }
0x20d: {  	v23 =	vld [tilespmem:s22+$0x170];
	[tilespmem:s16+$0x1B6E0] =	vst v17;
	v17 =	vadd.f32 v19, v7  }
0x20e: {  	v19 =	vld [tilespmem:s22+$0x1F0];
	[tilespmem:s16+$0x1B760] =	vst v16;
	v16 =	vadd.f32 v20, v7  }
0x20f: {  	v20 =	vld [tilespmem:s26+$0x270];
	[tilespmem:s16+$0x1B7E0] =	vst v17;
	v17 =	vadd.f32 v18, v8  }
0x210: {  	[tilespmem:s16+$0x1B860] =	vst v16;
	v18 =	vadd.f32 v21, v8;
	v21 =	vld [tilespmem:s22+$0x2F0]  }
0x211: {  	s30 =	sor.u32 $0x780, s25;
	v16 =	vadd.f32 v22, v8;
	v22 =	vld [tilespmem:s31+$0x370];
	[tilespmem:s16+$0x1B8F0] =	vst v17  }
0x212: {  	v17 =	vadd.f32 v23, v8;
	[tilespmem:s16+$0x1B570] =	vst v18;
	v18 =	vld [tilespmem:s30+$0x0]  }
0x213: {  	[tilespmem:s16+$0x1B5F0] =	vst v16;
	v16 =	vadd.f32 v19, v8;
	v23 =	vld [tilespmem:s22+$0x400]  }
0x214: {  	v19 =	vld [tilespmem:s22+$0x480];
	[tilespmem:s16+$0x1B670] =	vst v17;
	v17 =	vadd.f32 v20, v8  }
0x215: {  	v20 =	vld [tilespmem:s22+$0x500];
	[tilespmem:s16+$0x1B6F0] =	vst v16;
	v16 =	vadd.f32 v21, v8  }
0x216: {  	v21 =	vld [tilespmem:s22+$0x580];
	[tilespmem:s16+$0x1B770] =	vst v17;
	v17 =	vadd.f32 v22, v8  }
0x217: {  	v22 =	vld [tilespmem:s23+$0x200];
	[tilespmem:s16+$0x1B7F0] =	vst v16;
	v16 =	vadd.f32 v18, v9  }
0x218: {  	s31 =	sor.u32 $0x700, s24;
	[tilespmem:s16+$0x1B870] =	vst v17;
	v18 =	vadd.f32 v23, v9;
	v23 =	vld [tilespmem:s22+$0x680]  }
0x219: {  	s28 =	sor.u32 $0x790, s25;
	v17 =	vadd.f32 v19, v9;
	v19 =	vld [tilespmem:s31+$0x0];
	[tilespmem:s16+$0x1BC80] =	vst v16  }
0x21a: {  	v16 =	vadd.f32 v20, v9;
	[tilespmem:s16+$0x1B900] =	vst v18;
	v18 =	vld [tilespmem:s28+$0x0]  }
0x21b: {  	[tilespmem:s16+$0x1B980] =	vst v17;
	v17 =	vadd.f32 v21, v9;
	v20 =	vld [tilespmem:s22+$0x410]  }
0x21c: {  	v21 =	vld [tilespmem:s22+$0x490];
	[tilespmem:s16+$0x1BA00] =	vst v16;
	v16 =	vadd.f32 v22, v9  }
0x21d: {  	v22 =	vld [tilespmem:s22+$0x510];
	[tilespmem:s16+$0x1BA80] =	vst v17;
	v17 =	vadd.f32 v23, v9  }
0x21e: {  	v23 =	vld [tilespmem:s22+$0x590];
	[tilespmem:s16+$0x1BB00] =	vst v16;
	v16 =	vadd.f32 v19, v9  }
0x21f: {  	v19 =	vld [tilespmem:s23+$0x210];
	[tilespmem:s16+$0x1BB80] =	vst v17;
	v17 =	vadd.f32 v18, v10  }
0x220: {  	s29 =	sor.u32 $0x710, s24;
	[tilespmem:s16+$0x1BC00] =	vst v16;
	v18 =	vadd.f32 v20, v10;
	v20 =	vld [tilespmem:s22+$0x690]  }
0x221: {  	s30 =	sor.u32 $0x7A0, s25;
	v16 =	vadd.f32 v21, v10;
	v21 =	vld [tilespmem:s29+$0x0];
	[tilespmem:s16+$0x1BC90] =	vst v17  }
0x222: {  	v17 =	vadd.f32 v22, v10;
	[tilespmem:s16+$0x1B910] =	vst v18;
	v18 =	vld [tilespmem:s30+$0x0]  }
0x223: {  	[tilespmem:s16+$0x1B990] =	vst v16;
	v16 =	vadd.f32 v23, v10;
	v22 =	vld [tilespmem:s22+$0x420]  }
0x224: {  	v23 =	vld [tilespmem:s22+$0x4A0];
	[tilespmem:s16+$0x1BA10] =	vst v17;
	v17 =	vadd.f32 v19, v10  }
0x225: {  	v19 =	vld [tilespmem:s22+$0x520];
	[tilespmem:s16+$0x1BA90] =	vst v16;
	v16 =	vadd.f32 v20, v10  }
0x226: {  	v20 =	vld [tilespmem:s22+$0x5A0];
	[tilespmem:s16+$0x1BB10] =	vst v17;
	v17 =	vadd.f32 v21, v10  }
0x227: {  	v21 =	vld [tilespmem:s23+$0x220];
	[tilespmem:s16+$0x1BB90] =	vst v16;
	v16 =	vadd.f32 v18, v11  }
0x228: {  	s31 =	sor.u32 $0x720, s24;
	[tilespmem:s16+$0x1BC10] =	vst v17;
	v18 =	vadd.f32 v22, v11;
	v22 =	vld [tilespmem:s22+$0x6A0]  }
0x229: {  	s28 =	sor.u32 $0x7B0, s25;
	v17 =	vadd.f32 v23, v11;
	v23 =	vld [tilespmem:s31+$0x0];
	[tilespmem:s16+$0x1BCA0] =	vst v16  }
0x22a: {  	v16 =	vadd.f32 v19, v11;
	[tilespmem:s16+$0x1B920] =	vst v18;
	v18 =	vld [tilespmem:s28+$0x0]  }
0x22b: {  	[tilespmem:s16+$0x1B9A0] =	vst v17;
	v17 =	vadd.f32 v20, v11;
	v19 =	vld [tilespmem:s22+$0x430]  }
0x22c: {  	v20 =	vld [tilespmem:s22+$0x4B0];
	[tilespmem:s16+$0x1BA20] =	vst v16;
	v16 =	vadd.f32 v21, v11  }
0x22d: {  	v21 =	vld [tilespmem:s22+$0x530];
	[tilespmem:s16+$0x1BAA0] =	vst v17;
	v17 =	vadd.f32 v22, v11  }
0x22e: {  	v22 =	vld [tilespmem:s22+$0x5B0];
	[tilespmem:s16+$0x1BB20] =	vst v16;
	v16 =	vadd.f32 v23, v11  }
0x22f: {  	v23 =	vld [tilespmem:s23+$0x230];
	[tilespmem:s16+$0x1BBA0] =	vst v17;
	v17 =	vadd.f32 v18, v12  }
0x230: {  	s29 =	sor.u32 $0x730, s24;
	[tilespmem:s16+$0x1BC20] =	vst v16;
	v18 =	vadd.f32 v19, v12;
	v19 =	vld [tilespmem:s22+$0x6B0]  }
0x231: {  	s30 =	sor.u32 $0x7C0, s25;
	v16 =	vadd.f32 v20, v12;
	v20 =	vld [tilespmem:s29+$0x0];
	[tilespmem:s16+$0x1BCB0] =	vst v17  }
0x232: {  	v17 =	vadd.f32 v21, v12;
	[tilespmem:s16+$0x1B930] =	vst v18;
	v18 =	vld [tilespmem:s30+$0x0]  }
0x233: {  	[tilespmem:s16+$0x1B9B0] =	vst v16;
	v16 =	vadd.f32 v22, v12;
	v21 =	vld [tilespmem:s22+$0x440]  }
0x234: {  	v22 =	vld [tilespmem:s22+$0x4C0];
	[tilespmem:s16+$0x1BA30] =	vst v17;
	v17 =	vadd.f32 v23, v12  }
0x235: {  	v23 =	vld [tilespmem:s22+$0x540];
	[tilespmem:s16+$0x1BAB0] =	vst v16;
	v16 =	vadd.f32 v19, v12  }
0x236: {  	v19 =	vld [tilespmem:s22+$0x5C0];
	[tilespmem:s16+$0x1BB30] =	vst v17;
	v17 =	vadd.f32 v20, v12  }
0x237: {  	v20 =	vld [tilespmem:s23+$0x240];
	[tilespmem:s16+$0x1BBB0] =	vst v16;
	v16 =	vadd.f32 v18, v13  }
0x238: {  	s31 =	sor.u32 $0x740, s24;
	[tilespmem:s16+$0x1BC30] =	vst v17;
	v18 =	vadd.f32 v21, v13;
	v21 =	vld [tilespmem:s22+$0x6C0]  }
0x239: {  	s28 =	sor.u32 $0x7D0, s25;
	v17 =	vadd.f32 v22, v13;
	v22 =	vld [tilespmem:s31+$0x0];
	[tilespmem:s16+$0x1BCC0] =	vst v16  }
0x23a: {  	v16 =	vadd.f32 v23, v13;
	[tilespmem:s16+$0x1B940] =	vst v18;
	v18 =	vld [tilespmem:s28+$0x0]  }
0x23b: {  	[tilespmem:s16+$0x1B9C0] =	vst v17;
	v17 =	vadd.f32 v19, v13;
	v23 =	vld [tilespmem:s22+$0x450]  }
0x23c: {  	v19 =	vld [tilespmem:s22+$0x4D0];
	[tilespmem:s16+$0x1BA40] =	vst v16;
	v16 =	vadd.f32 v20, v13  }
0x23d: {  	v20 =	vld [tilespmem:s22+$0x550];
	[tilespmem:s16+$0x1BAC0] =	vst v17;
	v17 =	vadd.f32 v21, v13  }
0x23e: {  	v21 =	vld [tilespmem:s22+$0x5D0];
	[tilespmem:s16+$0x1BB40] =	vst v16;
	v16 =	vadd.f32 v22, v13  }
0x23f: {  	v22 =	vld [tilespmem:s23+$0x250];
	[tilespmem:s16+$0x1BBC0] =	vst v17;
	v17 =	vadd.f32 v18, v14  }
0x240: {  	s29 =	sor.u32 $0x750, s24;
	[tilespmem:s16+$0x1BC40] =	vst v16;
	v18 =	vadd.f32 v23, v14;
	v23 =	vld [tilespmem:s22+$0x6D0]  }
0x241: {  	s30 =	sor.u32 $0x7E0, s25;
	v16 =	vadd.f32 v19, v14;
	v19 =	vld [tilespmem:s29+$0x0];
	[tilespmem:s16+$0x1BCD0] =	vst v17  }
0x242: {  	v17 =	vadd.f32 v20, v14;
	[tilespmem:s16+$0x1B950] =	vst v18;
	v18 =	vld [tilespmem:s30+$0x0]  }
0x243: {  	[tilespmem:s16+$0x1B9D0] =	vst v16;
	v16 =	vadd.f32 v21, v14;
	v20 =	vld [tilespmem:s22+$0x460]  }
0x244: {  	v21 =	vld [tilespmem:s22+$0x4E0];
	[tilespmem:s16+$0x1BA50] =	vst v17;
	v17 =	vadd.f32 v22, v14  }
0x245: {  	v22 =	vld [tilespmem:s22+$0x560];
	[tilespmem:s16+$0x1BAD0] =	vst v16;
	v16 =	vadd.f32 v23, v14  }
0x246: {  	v23 =	vld [tilespmem:s22+$0x5E0];
	[tilespmem:s16+$0x1BB50] =	vst v17;
	v17 =	vadd.f32 v19, v14  }
0x247: {  	v24 =	vld [tilespmem:s23+$0x260];
	[tilespmem:s16+$0x1BBD0] =	vst v16;
	v16 =	vadd.f32 v18, v15  }
0x248: {  	s31 =	sor.u32 $0x760, s24;
	[tilespmem:s16+$0x1BC50] =	vst v17;
	v18 =	vadd.f32 v20, v15;
	v25 =	vld [tilespmem:s22+$0x6E0]  }
0x249: {  	s25 =	sor.u32 $0x7F0, s25;
	v17 =	vadd.f32 v21, v15;
	v21 =	vld [tilespmem:s31+$0x0];
	[tilespmem:s16+$0x1BCE0] =	vst v16  }
0x24a: {  	v16 =	vadd.f32 v22, v15;
	[tilespmem:s16+$0x1B960] =	vst v18;
	v20 =	vld [tilespmem:s25+$0x0]  }
0x24b: {  	[tilespmem:s16+$0x1B9E0] =	vst v17;
	v17 =	vadd.f32 v23, v15;
	v19 =	vld [tilespmem:s22+$0x470]  }
0x24c: {  	v18 =	vld [tilespmem:s22+$0x4F0];
	[tilespmem:s16+$0x1BA60] =	vst v16;
	v23 =	vadd.f32 v24, v15  }
0x24d: {  	v16 =	vld [tilespmem:s22+$0x570];
	[tilespmem:s16+$0x1BAE0] =	vst v17;
	v22 =	vadd.f32 v25, v15  }
0x24e: {  	s25 =	simm.s32 $0x8;
	v17 =	vld [tilespmem:s22+$0x5F0];
	[tilespmem:s16+$0x1BB60] =	vst v23;
	v21 =	vadd.f32 v21, v15  }
.LBB2_5:
0x24f: {  	s26 =	sadd.s32 s25, s20;
	p0 =	slt.u32 s25, $0x28;
	v23 =	vld [tilespmem:s23+$0x270];
	[tilespmem:s16+$0x1BBE0] =	vst v22;
	v20 =	vadd.f32 v20, v0  }
0x250: {  	s23 =	sadd.s32 s19, s25;
	s26 =	sshll.u32 s26, $0x8;
	v19 =	vadd.f32 v19, v0;
	v22 =	vld [tilespmem:s22+$0x6F0];
	[tilespmem:s16+$0x1BC60] =	vst v21;
	s22 =	sor.u32 $0x770, s24  }
0x251: {  	s23 =	sshll.u32 s23, $0x8;
	s28 =	sand.u32 $0x7F800, s26;
	v18 =	vadd.f32 v18, v0;
	v21 =	vld [tilespmem:s22+$0x0];
	[tilespmem:s16+$0x1BCF0] =	vst v20  }
0x252: {  	s22 =	sand.u32 $0x3FFFFF00, s23;
	v20 =	vld [tilespmem:s28+$0x380];
	[tilespmem:s16+$0x1B970] =	vst v19;
	v16 =	vadd.f32 v16, v0  }
0x253: {  	v19 =	vld [tilespmem:s22+$0x0];
	[tilespmem:s16+$0x1B9F0] =	vst v18;
	v17 =	vadd.f32 v17, v0  }
0x254: {  	s23 =	sadd.s32 s25, s21;
	v18 =	vld [tilespmem:s22+$0x80];
	[tilespmem:s16+$0x1BA70] =	vst v16;
	v16 =	vadd.f32 v23, v0  }
0x255: {  	s23 =	sshll.u32 s23, $0x8;
	v23 =	vld [tilespmem:s22+$0x100];
	[tilespmem:s16+$0x1BAF0] =	vst v17;
	v17 =	vadd.f32 v22, v0  }
0x256: {  	s24 =	sadd.s32 s25, s17;
	s29 =	sand.u32 $0x7F800, s23;
	v22 =	vld [tilespmem:s22+$0x180];
	[tilespmem:s16+$0x1BB70] =	vst v16;
	v16 =	vadd.f32 v21, v0  }
0x257: {  	s31 =	sshll.u32 s25, $0x8;
	s24 =	sshll.u32 s24, $0x8;
	v21 =	vld [tilespmem:s29+$0x200];
	v20 =	vadd.f32 v20, v1;
	[tilespmem:s16+$0x1BBF0] =	vst v17  }
0x258: {  	s30 =	sand.u32 $0x7F800, s24;
	v17 =	vadd.f32 v19, v1;
	v19 =	vld [tilespmem:s22+$0x280];
	[tilespmem:s16+$0x1BC70] =	vst v16;
	s16 =	sand.u32 $0x3FFFFF00, s31  }
0x259: {  	v16 =	vadd.f32 v18, v1;
	v18 =	vld [tilespmem:s30+$0x300];
	[tilespmem:s16+$0x1B880] =	vst v20  }
0x25a: {  	[tilespmem:s16+$0x1B500] =	vst v17;
	v17 =	vadd.f32 v23, v1;
	v20 =	vld [tilespmem:s28+$0x390]  }
0x25b: {  	v23 =	vld [tilespmem:s22+$0x10];
	[tilespmem:s16+$0x1B580] =	vst v16;
	v16 =	vadd.f32 v22, v1  }
0x25c: {  	v22 =	vld [tilespmem:s22+$0x90];
	[tilespmem:s16+$0x1B600] =	vst v17;
	v17 =	vadd.f32 v21, v1  }
0x25d: {  	v21 =	vld [tilespmem:s22+$0x110];
	[tilespmem:s16+$0x1B680] =	vst v16;
	v16 =	vadd.f32 v19, v1  }
0x25e: {  	v19 =	vld [tilespmem:s22+$0x190];
	[tilespmem:s16+$0x1B700] =	vst v17;
	v17 =	vadd.f32 v18, v1  }
0x25f: {  	v18 =	vld [tilespmem:s29+$0x210];
	[tilespmem:s16+$0x1B780] =	vst v16;
	v16 =	vadd.f32 v20, v2  }
0x260: {  	v20 =	vadd.f32 v23, v2;
	v23 =	vld [tilespmem:s22+$0x290];
	[tilespmem:s16+$0x1B800] =	vst v17  }
0x261: {  	v17 =	vadd.f32 v22, v2;
	v22 =	vld [tilespmem:s30+$0x310];
	[tilespmem:s16+$0x1B890] =	vst v16  }
0x262: {  	[tilespmem:s16+$0x1B510] =	vst v20;
	v16 =	vadd.f32 v21, v2;
	v20 =	vld [tilespmem:s28+$0x3A0]  }
0x263: {  	v21 =	vld [tilespmem:s22+$0x20];
	[tilespmem:s16+$0x1B590] =	vst v17;
	v17 =	vadd.f32 v19, v2  }
0x264: {  	v19 =	vld [tilespmem:s22+$0xA0];
	[tilespmem:s16+$0x1B610] =	vst v16;
	v16 =	vadd.f32 v18, v2  }
0x265: {  	v18 =	vld [tilespmem:s22+$0x120];
	[tilespmem:s16+$0x1B690] =	vst v17;
	v17 =	vadd.f32 v23, v2  }
0x266: {  	v23 =	vld [tilespmem:s22+$0x1A0];
	[tilespmem:s16+$0x1B710] =	vst v16;
	v16 =	vadd.f32 v22, v2  }
0x267: {  	v22 =	vld [tilespmem:s29+$0x220];
	[tilespmem:s16+$0x1B790] =	vst v17;
	v17 =	vadd.f32 v20, v3  }
0x268: {  	v20 =	vadd.f32 v21, v3;
	v21 =	vld [tilespmem:s22+$0x2A0];
	[tilespmem:s16+$0x1B810] =	vst v16  }
0x269: {  	v16 =	vadd.f32 v19, v3;
	v19 =	vld [tilespmem:s30+$0x320];
	[tilespmem:s16+$0x1B8A0] =	vst v17  }
0x26a: {  	[tilespmem:s16+$0x1B520] =	vst v20;
	v17 =	vadd.f32 v18, v3;
	v18 =	vld [tilespmem:s28+$0x3B0]  }
0x26b: {  	v20 =	vld [tilespmem:s22+$0x30];
	[tilespmem:s16+$0x1B5A0] =	vst v16;
	v16 =	vadd.f32 v23, v3  }
0x26c: {  	v23 =	vld [tilespmem:s22+$0xB0];
	[tilespmem:s16+$0x1B620] =	vst v17;
	v17 =	vadd.f32 v22, v3  }
0x26d: {  	v22 =	vld [tilespmem:s22+$0x130];
	[tilespmem:s16+$0x1B6A0] =	vst v16;
	v16 =	vadd.f32 v21, v3  }
0x26e: {  	v21 =	vld [tilespmem:s22+$0x1B0];
	[tilespmem:s16+$0x1B720] =	vst v17;
	v17 =	vadd.f32 v19, v3  }
0x26f: {  	v19 =	vld [tilespmem:s29+$0x230];
	[tilespmem:s16+$0x1B7A0] =	vst v16;
	v16 =	vadd.f32 v18, v4  }
0x270: {  	v18 =	vadd.f32 v20, v4;
	v20 =	vld [tilespmem:s22+$0x2B0];
	[tilespmem:s16+$0x1B820] =	vst v17  }
0x271: {  	v17 =	vadd.f32 v23, v4;
	v23 =	vld [tilespmem:s30+$0x330];
	[tilespmem:s16+$0x1B8B0] =	vst v16  }
0x272: {  	[tilespmem:s16+$0x1B530] =	vst v18;
	v16 =	vadd.f32 v22, v4;
	v18 =	vld [tilespmem:s28+$0x3C0]  }
0x273: {  	v22 =	vld [tilespmem:s22+$0x40];
	[tilespmem:s16+$0x1B5B0] =	vst v17;
	v17 =	vadd.f32 v21, v4  }
0x274: {  	v21 =	vld [tilespmem:s22+$0xC0];
	[tilespmem:s16+$0x1B630] =	vst v16;
	v16 =	vadd.f32 v19, v4  }
0x275: {  	v19 =	vld [tilespmem:s22+$0x140];
	[tilespmem:s16+$0x1B6B0] =	vst v17;
	v17 =	vadd.f32 v20, v4  }
0x276: {  	v20 =	vld [tilespmem:s22+$0x1C0];
	[tilespmem:s16+$0x1B730] =	vst v16;
	v16 =	vadd.f32 v23, v4  }
0x277: {  	v23 =	vld [tilespmem:s29+$0x240];
	[tilespmem:s16+$0x1B7B0] =	vst v17;
	v17 =	vadd.f32 v18, v5  }
0x278: {  	v18 =	vadd.f32 v22, v5;
	v22 =	vld [tilespmem:s22+$0x2C0];
	[tilespmem:s16+$0x1B830] =	vst v16  }
0x279: {  	v16 =	vadd.f32 v21, v5;
	v21 =	vld [tilespmem:s30+$0x340];
	[tilespmem:s16+$0x1B8C0] =	vst v17  }
0x27a: {  	[tilespmem:s16+$0x1B540] =	vst v18;
	v17 =	vadd.f32 v19, v5;
	v18 =	vld [tilespmem:s28+$0x3D0]  }
0x27b: {  	v19 =	vld [tilespmem:s22+$0x50];
	[tilespmem:s16+$0x1B5C0] =	vst v16;
	v16 =	vadd.f32 v20, v5  }
0x27c: {  	v20 =	vld [tilespmem:s22+$0xD0];
	[tilespmem:s16+$0x1B640] =	vst v17;
	v17 =	vadd.f32 v23, v5  }
0x27d: {  	v23 =	vld [tilespmem:s22+$0x150];
	[tilespmem:s16+$0x1B6C0] =	vst v16;
	v16 =	vadd.f32 v22, v5  }
0x27e: {  	v22 =	vld [tilespmem:s22+$0x1D0];
	[tilespmem:s16+$0x1B740] =	vst v17;
	v17 =	vadd.f32 v21, v5  }
0x27f: {  	v21 =	vld [tilespmem:s29+$0x250];
	[tilespmem:s16+$0x1B7C0] =	vst v16;
	v16 =	vadd.f32 v18, v6  }
0x280: {  	v18 =	vadd.f32 v19, v6;
	v19 =	vld [tilespmem:s22+$0x2D0];
	[tilespmem:s16+$0x1B840] =	vst v17  }
0x281: {  	v17 =	vadd.f32 v20, v6;
	v20 =	vld [tilespmem:s30+$0x350];
	[tilespmem:s16+$0x1B8D0] =	vst v16  }
0x282: {  	[tilespmem:s16+$0x1B550] =	vst v18;
	v16 =	vadd.f32 v23, v6;
	v18 =	vld [tilespmem:s28+$0x3E0]  }
0x283: {  	v23 =	vld [tilespmem:s22+$0x60];
	[tilespmem:s16+$0x1B5D0] =	vst v17;
	v17 =	vadd.f32 v22, v6  }
0x284: {  	v22 =	vld [tilespmem:s22+$0xE0];
	[tilespmem:s16+$0x1B650] =	vst v16;
	v16 =	vadd.f32 v21, v6  }
0x285: {  	v21 =	vld [tilespmem:s22+$0x160];
	[tilespmem:s16+$0x1B6D0] =	vst v17;
	v17 =	vadd.f32 v19, v6  }
0x286: {  	v19 =	vld [tilespmem:s22+$0x1E0];
	[tilespmem:s16+$0x1B750] =	vst v16;
	v16 =	vadd.f32 v20, v6  }
0x287: {  	v20 =	vld [tilespmem:s29+$0x260];
	[tilespmem:s16+$0x1B7D0] =	vst v17;
	v17 =	vadd.f32 v18, v7  }
0x288: {  	v18 =	vadd.f32 v23, v7;
	v23 =	vld [tilespmem:s22+$0x2E0];
	[tilespmem:s16+$0x1B850] =	vst v16  }
0x289: {  	v16 =	vadd.f32 v22, v7;
	v22 =	vld [tilespmem:s30+$0x360];
	[tilespmem:s16+$0x1B8E0] =	vst v17  }
0x28a: {  	[tilespmem:s16+$0x1B560] =	vst v18;
	v17 =	vadd.f32 v21, v7;
	v18 =	vld [tilespmem:s28+$0x3F0]  }
0x28b: {  	v21 =	vld [tilespmem:s22+$0x70];
	[tilespmem:s16+$0x1B5E0] =	vst v16;
	v16 =	vadd.f32 v19, v7  }
0x28c: {  	v19 =	vld [tilespmem:s22+$0xF0];
	[tilespmem:s16+$0x1B660] =	vst v17;
	v17 =	vadd.f32 v20, v7  }
0x28d: {  	v20 =	vld [tilespmem:s22+$0x170];
	[tilespmem:s16+$0x1B6E0] =	vst v16;
	v16 =	vadd.f32 v23, v7  }
0x28e: {  	v23 =	vld [tilespmem:s22+$0x1F0];
	[tilespmem:s16+$0x1B760] =	vst v17;
	v17 =	vadd.f32 v22, v7  }
0x28f: {  	v22 =	vld [tilespmem:s29+$0x270];
	[tilespmem:s16+$0x1B7E0] =	vst v16;
	v16 =	vadd.f32 v18, v8  }
0x290: {  	v18 =	vadd.f32 v21, v8;
	v21 =	vld [tilespmem:s22+$0x2F0];
	[tilespmem:s16+$0x1B860] =	vst v17  }
0x291: {  	s28 =	sor.u32 $0x780, s26;
	v17 =	vadd.f32 v19, v8;
	v19 =	vld [tilespmem:s30+$0x370];
	[tilespmem:s16+$0x1B8F0] =	vst v16  }
0x292: {  	[tilespmem:s16+$0x1B570] =	vst v18;
	v16 =	vadd.f32 v20, v8;
	v18 =	vld [tilespmem:s28+$0x0]  }
0x293: {  	v20 =	vld [tilespmem:s22+$0x400];
	[tilespmem:s16+$0x1B5F0] =	vst v17;
	v17 =	vadd.f32 v23, v8  }
0x294: {  	v23 =	vld [tilespmem:s22+$0x480];
	[tilespmem:s16+$0x1B670] =	vst v16;
	v16 =	vadd.f32 v22, v8  }
0x295: {  	v22 =	vld [tilespmem:s22+$0x500];
	[tilespmem:s16+$0x1B6F0] =	vst v17;
	v17 =	vadd.f32 v21, v8  }
0x296: {  	v21 =	vld [tilespmem:s22+$0x580];
	[tilespmem:s16+$0x1B770] =	vst v16;
	v16 =	vadd.f32 v19, v8  }
0x297: {  	v19 =	vld [tilespmem:s23+$0x200];
	[tilespmem:s16+$0x1B7F0] =	vst v17;
	v17 =	vadd.f32 v18, v9  }
0x298: {  	s28 =	sor.u32 $0x700, s24;
	v18 =	vadd.f32 v20, v9;
	v20 =	vld [tilespmem:s22+$0x680];
	[tilespmem:s16+$0x1B870] =	vst v16  }
0x299: {  	v16 =	vadd.f32 v23, v9;
	v23 =	vld [tilespmem:s28+$0x0];
	[tilespmem:s16+$0x1BC80] =	vst v17;
	s28 =	sor.u32 $0x790, s26  }
0x29a: {  	[tilespmem:s16+$0x1B900] =	vst v18;
	v17 =	vadd.f32 v22, v9;
	v18 =	vld [tilespmem:s28+$0x0]  }
0x29b: {  	v22 =	vld [tilespmem:s22+$0x410];
	[tilespmem:s16+$0x1B980] =	vst v16;
	v16 =	vadd.f32 v21, v9  }
0x29c: {  	v21 =	vld [tilespmem:s22+$0x490];
	[tilespmem:s16+$0x1BA00] =	vst v17;
	v17 =	vadd.f32 v19, v9  }
0x29d: {  	v19 =	vld [tilespmem:s22+$0x510];
	[tilespmem:s16+$0x1BA80] =	vst v16;
	v16 =	vadd.f32 v20, v9  }
0x29e: {  	v20 =	vld [tilespmem:s22+$0x590];
	[tilespmem:s16+$0x1BB00] =	vst v17;
	v17 =	vadd.f32 v23, v9  }
0x29f: {  	v23 =	vld [tilespmem:s23+$0x210];
	[tilespmem:s16+$0x1BB80] =	vst v16;
	v16 =	vadd.f32 v18, v10  }
0x2a0: {  	s28 =	sor.u32 $0x710, s24;
	v18 =	vadd.f32 v22, v10;
	v22 =	vld [tilespmem:s22+$0x690];
	[tilespmem:s16+$0x1BC00] =	vst v17  }
0x2a1: {  	v17 =	vadd.f32 v21, v10;
	v21 =	vld [tilespmem:s28+$0x0];
	[tilespmem:s16+$0x1BC90] =	vst v16;
	s28 =	sor.u32 $0x7A0, s26  }
0x2a2: {  	[tilespmem:s16+$0x1B910] =	vst v18;
	v16 =	vadd.f32 v19, v10;
	v18 =	vld [tilespmem:s28+$0x0]  }
0x2a3: {  	v19 =	vld [tilespmem:s22+$0x420];
	[tilespmem:s16+$0x1B990] =	vst v17;
	v17 =	vadd.f32 v20, v10  }
0x2a4: {  	v20 =	vld [tilespmem:s22+$0x4A0];
	[tilespmem:s16+$0x1BA10] =	vst v16;
	v16 =	vadd.f32 v23, v10  }
0x2a5: {  	v23 =	vld [tilespmem:s22+$0x520];
	[tilespmem:s16+$0x1BA90] =	vst v17;
	v17 =	vadd.f32 v22, v10  }
0x2a6: {  	v22 =	vld [tilespmem:s22+$0x5A0];
	[tilespmem:s16+$0x1BB10] =	vst v16;
	v16 =	vadd.f32 v21, v10  }
0x2a7: {  	v21 =	vld [tilespmem:s23+$0x220];
	[tilespmem:s16+$0x1BB90] =	vst v17;
	v17 =	vadd.f32 v18, v11  }
0x2a8: {  	s28 =	sor.u32 $0x720, s24;
	v18 =	vadd.f32 v19, v11;
	v19 =	vld [tilespmem:s22+$0x6A0];
	[tilespmem:s16+$0x1BC10] =	vst v16  }
0x2a9: {  	v16 =	vadd.f32 v20, v11;
	v20 =	vld [tilespmem:s28+$0x0];
	[tilespmem:s16+$0x1BCA0] =	vst v17;
	s28 =	sor.u32 $0x7B0, s26  }
0x2aa: {  	[tilespmem:s16+$0x1B920] =	vst v18;
	v17 =	vadd.f32 v23, v11;
	v18 =	vld [tilespmem:s28+$0x0]  }
0x2ab: {  	v23 =	vld [tilespmem:s22+$0x430];
	[tilespmem:s16+$0x1B9A0] =	vst v16;
	v16 =	vadd.f32 v22, v11  }
0x2ac: {  	v22 =	vld [tilespmem:s22+$0x4B0];
	[tilespmem:s16+$0x1BA20] =	vst v17;
	v17 =	vadd.f32 v21, v11  }
0x2ad: {  	v21 =	vld [tilespmem:s22+$0x530];
	[tilespmem:s16+$0x1BAA0] =	vst v16;
	v16 =	vadd.f32 v19, v11  }
0x2ae: {  	v19 =	vld [tilespmem:s22+$0x5B0];
	[tilespmem:s16+$0x1BB20] =	vst v17;
	v17 =	vadd.f32 v20, v11  }
0x2af: {  	v20 =	vld [tilespmem:s23+$0x230];
	[tilespmem:s16+$0x1BBA0] =	vst v16;
	v16 =	vadd.f32 v18, v12  }
0x2b0: {  	s28 =	sor.u32 $0x730, s24;
	v18 =	vadd.f32 v23, v12;
	v23 =	vld [tilespmem:s22+$0x6B0];
	[tilespmem:s16+$0x1BC20] =	vst v17  }
0x2b1: {  	v17 =	vadd.f32 v22, v12;
	v22 =	vld [tilespmem:s28+$0x0];
	[tilespmem:s16+$0x1BCB0] =	vst v16;
	s28 =	sor.u32 $0x7C0, s26  }
0x2b2: {  	[tilespmem:s16+$0x1B930] =	vst v18;
	v16 =	vadd.f32 v21, v12;
	v18 =	vld [tilespmem:s28+$0x0]  }
0x2b3: {  	v21 =	vld [tilespmem:s22+$0x440];
	[tilespmem:s16+$0x1B9B0] =	vst v17;
	v17 =	vadd.f32 v19, v12  }
0x2b4: {  	v19 =	vld [tilespmem:s22+$0x4C0];
	[tilespmem:s16+$0x1BA30] =	vst v16;
	v16 =	vadd.f32 v20, v12  }
0x2b5: {  	v20 =	vld [tilespmem:s22+$0x540];
	[tilespmem:s16+$0x1BAB0] =	vst v17;
	v17 =	vadd.f32 v23, v12  }
0x2b6: {  	v23 =	vld [tilespmem:s22+$0x5C0];
	[tilespmem:s16+$0x1BB30] =	vst v16;
	v16 =	vadd.f32 v22, v12  }
0x2b7: {  	v22 =	vld [tilespmem:s23+$0x240];
	[tilespmem:s16+$0x1BBB0] =	vst v17;
	v17 =	vadd.f32 v18, v13  }
0x2b8: {  	s28 =	sor.u32 $0x740, s24;
	v18 =	vadd.f32 v21, v13;
	v21 =	vld [tilespmem:s22+$0x6C0];
	[tilespmem:s16+$0x1BC30] =	vst v16  }
0x2b9: {  	v16 =	vadd.f32 v19, v13;
	v19 =	vld [tilespmem:s28+$0x0];
	[tilespmem:s16+$0x1BCC0] =	vst v17;
	s28 =	sor.u32 $0x7D0, s26  }
0x2ba: {  	[tilespmem:s16+$0x1B940] =	vst v18;
	v17 =	vadd.f32 v20, v13;
	v18 =	vld [tilespmem:s28+$0x0]  }
0x2bb: {  	v20 =	vld [tilespmem:s22+$0x450];
	[tilespmem:s16+$0x1B9C0] =	vst v16;
	v16 =	vadd.f32 v23, v13  }
0x2bc: {  	v23 =	vld [tilespmem:s22+$0x4D0];
	[tilespmem:s16+$0x1BA40] =	vst v17;
	v17 =	vadd.f32 v22, v13  }
0x2bd: {  	v22 =	vld [tilespmem:s22+$0x550];
	[tilespmem:s16+$0x1BAC0] =	vst v16;
	v16 =	vadd.f32 v21, v13  }
0x2be: {  	v21 =	vld [tilespmem:s22+$0x5D0];
	[tilespmem:s16+$0x1BB40] =	vst v17;
	v17 =	vadd.f32 v19, v13  }
0x2bf: {  	v19 =	vld [tilespmem:s23+$0x250];
	[tilespmem:s16+$0x1BBC0] =	vst v16;
	v16 =	vadd.f32 v18, v14  }
0x2c0: {  	s28 =	sor.u32 $0x750, s24;
	v18 =	vadd.f32 v20, v14;
	v20 =	vld [tilespmem:s22+$0x6D0];
	[tilespmem:s16+$0x1BC40] =	vst v17  }
0x2c1: {  	v17 =	vadd.f32 v23, v14;
	v23 =	vld [tilespmem:s28+$0x0];
	[tilespmem:s16+$0x1BCD0] =	vst v16;
	s28 =	sor.u32 $0x7E0, s26  }
0x2c2: {  	[tilespmem:s16+$0x1B950] =	vst v18;
	v16 =	vadd.f32 v22, v14;
	v18 =	vld [tilespmem:s28+$0x0]  }
0x2c3: {  	v22 =	vld [tilespmem:s22+$0x460];
	[tilespmem:s16+$0x1B9D0] =	vst v17;
	v17 =	vadd.f32 v21, v14  }
0x2c4: {  	v21 =	vld [tilespmem:s22+$0x4E0];
	[tilespmem:s16+$0x1BA50] =	vst v16;
	v16 =	vadd.f32 v19, v14  }
0x2c5: {  	v19 =	vld [tilespmem:s22+$0x560];
	[tilespmem:s16+$0x1BAD0] =	vst v17;
	v17 =	vadd.f32 v20, v14  }
0x2c6: {  	v24 =	vld [tilespmem:s22+$0x5E0];
	[tilespmem:s16+$0x1BB50] =	vst v16;
	v16 =	vadd.f32 v23, v14  }
0x2c7: {  	v23 =	vld [tilespmem:s23+$0x260];
	[tilespmem:s16+$0x1BBD0] =	vst v17;
	v17 =	vadd.f32 v18, v15  }
0x2c8: {  	s28 =	sor.u32 $0x760, s24;
	v18 =	vadd.f32 v22, v15;
	v22 =	vld [tilespmem:s22+$0x6E0];
	[tilespmem:s16+$0x1BC50] =	vst v16  }
0x2c9: {  	s26 =	sor.u32 $0x7F0, s26;
	v16 =	vadd.f32 v21, v15;
	v21 =	vld [tilespmem:s28+$0x0];
	[tilespmem:s16+$0x1BCE0] =	vst v17  }
.Ltmp1:
0x2ca: {  	[tilespmem:s16+$0x1B960] =	vst v18;
	v17 =	vadd.f32 v19, v15;
	v20 =	vld [tilespmem:s26+$0x0];
	(pc) =	sbr.rel @p0 .LBB2_5-.Ltmp1, $4  }
0x2cb: {  	v19 =	vld [tilespmem:s22+$0x470];
	[tilespmem:s16+$0x1B9E0] =	vst v16;
	v24 =	vadd.f32 v24, v15  }
0x2cc: {  	v18 =	vld [tilespmem:s22+$0x4F0];
	[tilespmem:s16+$0x1BA60] =	vst v17;
	v23 =	vadd.f32 v23, v15  }
0x2cd: {  	v16 =	vld [tilespmem:s22+$0x570];
	[tilespmem:s16+$0x1BAE0] =	vst v24;
	v22 =	vadd.f32 v22, v15  }
0x2ce: {  	s25 =	sadd.s32 $0x8, s25;
	v17 =	vld [tilespmem:s22+$0x5F0];
	[tilespmem:s16+$0x1BB60] =	vst v23;
	v21 =	vadd.f32 v21, v15  }
0x2cf: {  	v1 =	vld [tilespmem:s23+$0x270];
	[tilespmem:s16+$0x1BBE0] =	vst v22;
	v2 =	vadd.f32 v20, v0  }
0x2d0: {  	s17 =	sor.u32 $0x770, s24;
	v3 =	vadd.f32 v19, v0;
	v4 =	vld [tilespmem:s22+$0x6F0];
	[tilespmem:s16+$0x1BC60] =	vst v21  }
0x2d1: {  	v5 =	vadd.f32 v18, v0;
	v6 =	vld [tilespmem:s17+$0x0];
	[tilespmem:s16+$0x1BCF0] =	vst v2  }
0x2d2: {  	[tilespmem:s16+$0x1B970] =	vst v3;
	v60 =	vadd.f32 v16, v0  }
0x2d3: {  	s15 =	sadd.s32 $0x1, s15;
	[tilespmem:s16+$0x1B9F0] =	vst v5;
	v61 =	vadd.f32 v17, v0  }
0x2d4: {  	p0 =	sne.s32 s15, $0x14;
	[tilespmem:s16+$0x1BA70] =	vst v60;
	v1 =	vadd.f32 v1, v0  }
.Ltmp2:
0x2d5: {  	[tilespmem:s16+$0x1BAF0] =	vst v61;
	v62 =	vadd.f32 v4, v0;
	(pc) =	sbr.rel @p0 .LBB2_2-.Ltmp2, $4  }
0x2d6: {  	s30 =	sadd.s32 s18, s19;
	[tilespmem:s16+$0x1BB70] =	vst v1;
	v63 =	vadd.f32 v6, v0  }
0x2d7: {  	s17 =	sshll.u32 s30, $0x5;
	[tilespmem:s16+$0x1BBF0] =	vst v62  }
0x2d8: {  	s31 =	sadd.s32 s4, s17;
	[tilespmem:s16+$0x1BC70] =	vst v63  }
0x2d9: {  	[hbm4b:s31+s3] =	stream.linear.scatter [tilespmem:s11], [sflag:$0x2], $0x3000, $0x38;
	[tilespmem:$0x1E500] =	vst v63  }
0x2da: {  	s14 =	sadd.s32 $0x1, s14  }
0x2db: {  	_ =	swait.ge [sflag:s12], $0x3000;
	p0 =	sne.s32 s14, s7  }
.Ltmp3:
0x2dc: {  	[sflag:s12] =	ssyncset.done $0x0;
	(pc) =	sbr.rel @p0 .LBB2_1-.Ltmp3, $4  }
0x2dd: {  	[sflag:s12] =	ssyncadd.s32 $0xFFFFD000  }
0x2de: {  	_ =	swait.ge [sflag:s13], $0x3000  }
0x2df: {  	[sflag:s13] =	ssyncset.done $0x0  }
0x2e0: {  	[sflag:s13] =	ssyncadd.s32 $0xFFFFD000  }
0x2e1: {  	_ =	sfence.sel $0x180000  }
0x2e2: {  	[bflag:$0x0] =	sbarrier.arrive $0xFFFF  }
0x2e3: {  	p0 =	sne.s32 s0, $0x0;
	_ =	strace $0x90000047  }
0x2e4: {  	s0 =	sadd.s32 @!p0 $0x100000, s1;
	[bflag:$0x2] =	sbarrier.arrive $0xFFFF  }
0x2e5: {  	[sflag:s0] =	ssyncadd.tile.s32 @!p0 $0x1;
	_ =	shalt  }
.Lfunc_end2:
_tile_overlayer_lowered:
.L_overlay_start_2:
0x2e6: {  	(tag) =	ssettag $0x2  }
0x2e7: {  	s0 =	rddreg [dreg:$0x0];
	s2 =	stileid.u32  }
0x2e8: {  	s1 =	rddreg [dreg:$0x1];
	p0 =	sne.s32 s2, $0x0  }
0x2e9: {  	s3 =	rddreg [dreg:$0x2];
	[bflag:$0x3] =	sbarrier.arrive $0xFFFF;
	s2 =	simm.s32 @!p0 $0x1C03  }
0x2ea: {  	[timem:s3], [sflag:s2] =	dma.local @!p0 [hbm:s0], s1  }
0x2eb: {  	s0 =	simm.s32 @!p0 $0x3  }
0x2ec: {  	_ =	swait.ge @!p0 [sflag:s0], s1  }
0x2ed: {  	s1 =	ssub.s32 @!p0 $0x0, s1;
	[sflag:s0] =	ssyncset.done @!p0 $0x0  }
0x2ee: {  	[sflag:s0] =	ssyncadd.s32 @!p0 s1  }
0x2ef: {  	[bflag:$0x3] =	sbarrier.arrive $0xFFFF  }
0x2f0: {  	_ =	shalt  }

</sc_bundles>
